<compile_context>
chip_gen: v7x
topology: tpu7x:2x2x1
jax: 0.10.2.dev20260603
libtpu: 0.0.44.dev20260713+nightly
codegen_flags: <defaults>
</compile_context>

<pallas_src>
import functools

import jax
import jax.numpy as jnp
from jax import lax
from jax.experimental import pallas as pl
from jax.experimental.pallas import tpu as pltpu
from jax.experimental.pallas import tpu_sc as plsc

_B, _T, _H, _W, _C = 16, 16, 14, 14, 768
_NSLAB = _B * _H * _W
_ROWS = _NSLAB * _T
_NW = 32
_SPW = _NSLAB // _NW
_RPW = _ROWS // _NW
_CHUNK = 56
_NCHUNK = _RPW // _CHUNK


@functools.cache
def _build_sc_patch_shift():
    @functools.partial(
        pl.kernel,
        mesh=plsc.VectorSubcoreMesh(core_axis_name="c", subcore_axis_name="s"),
        out_type=jax.ShapeDtypeStruct((_ROWS, _C), jnp.float32),
        scratch_types=[
            pltpu.VMEM((_RPW,), jnp.int32),
            pltpu.VMEM((_CHUNK, _C), jnp.float32),
            pltpu.VMEM((_CHUNK, _C), jnp.float32),
            pltpu.SemaphoreType.DMA,
            pltpu.SemaphoreType.DMA,
        ],
    )
    def _sc_patch_shift(x_hbm, out_hbm, idx_v, buf0, buf1, gs0, gs1):
        wid = lax.axis_index("s") * 2 + lax.axis_index("c")
        base = wid * _RPW
        sbase = wid * _SPW
        lanes = lax.iota(jnp.int32, 16)

        def idx_body(i, carry):
            slab = sbase + i
            q = lax.div(slab, _W)
            w = slab - q * _W
            h = q - lax.div(q, _H) * _H
            p = h * _W + w
            h7 = lax.div(p, 7)
            w7 = p - h7 * 7
            code = (w7 % 3) * 3 + (h7 % 3)
            s = jnp.where(code == 0, -4,
                jnp.where(code == 1, 1,
                jnp.where(code == 2, 2,
                jnp.where(code == 3, -1,
                jnp.where(code == 5, 3,
                jnp.where(code == 6, -2,
                jnp.where(code == 7, -3,
                jnp.where(code == 8, 4,
                    jnp.where(p == 8, 0, -1)))))))))
            idx_v[pl.ds(i * 16, 16)] = slab * _T + ((lanes - s + _T) & (_T - 1))
            return carry

        lax.fori_loop(0, _SPW, idx_body, 0)

        def start_gather(c, buf, sem):
            pltpu.async_copy(x_hbm.at[idx_v.at[pl.ds(c * _CHUNK, _CHUNK)]], buf, sem)

        def wait_gather(c, buf, sem):
            pltpu.make_async_copy(
                x_hbm.at[idx_v.at[pl.ds(c * _CHUNK, _CHUNK)]], buf, sem).wait()

        def scatter(c, buf):
            pltpu.sync_copy(buf, out_hbm.at[pl.ds(base + c * _CHUNK, _CHUNK)])

        start_gather(0, buf0, gs0)
        start_gather(1, buf1, gs1)

        def body(i, carry):
            g = 2 * i
            wait_gather(g, buf0, gs0)
            scatter(g, buf0)
            start_gather(g + 2, buf0, gs0)
            wait_gather(g + 1, buf1, gs1)
            scatter(g + 1, buf1)
            start_gather(g + 3, buf1, gs1)
            return carry

        lax.fori_loop(0, (_NCHUNK - 2) // 2, body, 0)

        g = _NCHUNK - 2
        wait_gather(g, buf0, gs0)
        scatter(g, buf0)
        wait_gather(g + 1, buf1, gs1)
        scatter(g + 1, buf1)

    return _sc_patch_shift


def kernel(x):
    xl = x.transpose(0, 2, 3, 1, 4).reshape(_ROWS, _C)
    out = _build_sc_patch_shift()(xl)
    return out.reshape(_B, _H, _W, _T, _C).transpose(0, 3, 1, 2, 4)

# --- scband reference (transcript-rebuilt; emitter-appended) ---
"""Pipeline reference for scband-rand2d-patch-shift-62474594287749 (READ-ONLY COPY).

The authoritative reference and input builder live on the scoring server;
editing this copy changes nothing except your own understanding.
"""

import jax, jax.numpy as jnp
import numpy as np

INV = False
SX = 1
SY = 1
W_ = 14
H_ = 14


def _forward(x):
    B, T, H, W, c = x.shape
    feat = x.reshape(B, T, H * W, c)
    stride = 1
    multiplier = -1 if INV else 1
    hsy, wsx = H_ // SY, W_ // SX
    key = jax.random.key(1)
    # torch.randint(sy*sx, size=(hsy, wsx, 1)) followed by scatter of -1 along dim 2
    rand_idx = jax.random.randint(key, (hsy, wsx), 0, SY * SX)
    idx_buffer_view = -jax.nn.one_hot(rand_idx, SY * SX, dtype=jnp.int64)
    idx_buffer_view = idx_buffer_view.reshape(hsy, wsx, SY, SX).transpose(0, 2, 1, 3).reshape(hsy * SY, wsx * SX)
    if hsy * SY < H_ or wsx * SX < W_:
        idx_buffer = jnp.zeros((H_, W_), dtype=jnp.int64)
        idx_buffer = idx_buffer.at[:hsy * SY, :wsx * SX].set(idx_buffer_view)
    else:
        idx_buffer = idx_buffer_view
    rand_sorted = jnp.argsort(idx_buffer.reshape(-1))  # jax sort is stable
    num_dst = hsy * wsx
    shift_idx = rand_sorted[:num_dst]
    shift_table = jnp.array([-4, 1, 2, -1, 0, 3, -2, -3, 4])

    def body(inv_var, idx):
        w_idx = idx % 7
        h_idx = idx // 7
        patch = feat[:, :, idx, :]
        wm = w_idx % 3
        hm = h_idx % 3
        triggered = (wm == 1) & (hm == 1) & (w_idx != h_idx)
        inv_var = jnp.where(triggered, -1, inv_var)
        code = wm * 3 + hm
        s = jnp.where(code == 4, inv_var, shift_table[code]) * (multiplier * stride)
        return inv_var, jnp.roll(patch, shift=s, axis=1)

    inv0 = jnp.asarray(int(INV))  # replicates the mutable-`inv` behavior of the original loop
    _, out = jax.lax.scan(body, inv0, shift_idx)
    out = jnp.moveaxis(out, 0, 2)
    out = out.reshape(B, T, hsy, wsx, c)
    return out


def setup_inputs(seed: int = 0) -> dict:
    key = jax.random.key(seed)
    x = jax.random.normal(key, (16, 16, 14, 14, 768), dtype=jnp.float32)
    return {"x": x}


def reference(x):
    return _forward(x)

if __name__ == "__main__":
    import jax
    _d = setup_inputs()
    print(jax.jit(kernel)(*tuple(_d.values())))

</pallas_src>

<mosaic_0001>
#map = affine_map<(d0, d1) -> (0, 0)>
module attributes {stable_mosaic.version = 14 : i64} {
  func.func @_sc_patch_shift(%arg0: i32, %arg1: i32, %arg2: memref<50176x768xf32, #tpu.memory_space<hbm>>, %arg3: memref<50176x768xf32, #tpu.memory_space<hbm>>, %arg4: memref<1568xi32, #tpu.memory_space<vmem>>, %arg5: memref<56x768xf32, #tpu.memory_space<vmem>>, %arg6: memref<56x768xf32, #tpu.memory_space<vmem>>, %arg7: memref<!tpu.dma_semaphore, #tpu.memory_space<semaphore_mem>>, %arg8: memref<!tpu.dma_semaphore, #tpu.memory_space<semaphore_mem>>) attributes {dimension_semantics = [#tpu.dimension_semantics<core_parallel>, #tpu.dimension_semantics<subcore_parallel>], iteration_bounds = array<i64: 2, 16>, scalar_prefetch = 0 : i64, scratch_operands = 5 : i64, tpu.core_type = #tpu.core_type<sc_vector_subcore>, window_params = [{transform_indices = #map}, {transform_indices = #map}]} {
    %mul3A = arith.constant 2 : i32
    %mul3A_0 = arith.muli %arg1, %mul3A : i32
    %add3A = arith.addi %mul3A_0, %arg0 : i32
    %mul3A_1 = arith.constant 1568 : i32
    %mul3A_2 = arith.muli %add3A, %mul3A_1 : i32
    %mul3A_3 = arith.constant 98 : i32
    %mul3A_4 = arith.muli %add3A, %mul3A_3 : i32
    %iota3A = tpu.iota {dimensions = array<i32: 0>} : vector<16xi32>
    %scan3A = arith.constant 0 : i32
    %scan3A_5 = arith.constant 0 : i32
    %scan3A_6 = arith.constant 98 : i32
    %scan3A_7 = arith.addi %scan3A_5, %scan3A_6 : i32
    %scan3A_8 = arith.constant 1 : i32
    scf.for %scan3A_38 = %scan3A_5 to %scan3A_7 step %scan3A_8  : i32 {
      %add3A_39 = arith.addi %mul3A_4, %scan3A_38 : i32
      %div3A = arith.constant 14 : i32
      %div3A_40 = arith.divsi %add3A_39, %div3A : i32
      %mul3A_41 = arith.constant 14 : i32
      %mul3A_42 = arith.muli %div3A_40, %mul3A_41 : i32
      %sub3A = arith.subi %add3A_39, %mul3A_42 : i32
      %div3A_43 = arith.constant 14 : i32
      %div3A_44 = arith.divsi %div3A_40, %div3A_43 : i32
      %mul3A_45 = arith.constant 14 : i32
      %mul3A_46 = arith.muli %div3A_44, %mul3A_45 : i32
      %sub3A_47 = arith.subi %div3A_40, %mul3A_46 : i32
      %mul3A_48 = arith.constant 14 : i32
      %mul3A_49 = arith.muli %sub3A_47, %mul3A_48 : i32
      %add3A_50 = arith.addi %mul3A_49, %sub3A : i32
      %div3A_51 = arith.constant 7 : i32
      %div3A_52 = arith.divsi %add3A_50, %div3A_51 : i32
      %mul3A_53 = arith.constant 7 : i32
      %mul3A_54 = arith.muli %div3A_52, %mul3A_53 : i32
      %sub3A_55 = arith.subi %add3A_50, %mul3A_54 : i32
      %jit3A = arith.constant 3 : i32
      %eq3A = arith.constant 0 : i32
      %eq3A_56 = arith.cmpi eq, %jit3A, %eq3A : i32
      %jit3A_57 = arith.constant 1 : i32
      %select_n3A = arith.select %eq3A_56, %jit3A_57, %jit3A : i32
      %rem3A = arith.remsi %sub3A_55, %select_n3A : i32
      %ne3A = arith.constant 0 : i32
      %ne3A_58 = arith.cmpi ne, %rem3A, %ne3A : i32
      %lt3A = arith.constant 0 : i32
      %lt3A_59 = arith.cmpi slt, %rem3A, %lt3A : i32
      %lt3A_60 = arith.constant 0 : i32
      %lt3A_61 = arith.cmpi slt, %select_n3A, %lt3A_60 : i32
      %ne3A_62 = arith.xori %lt3A_59, %lt3A_61 : i1
      %and3A = arith.andi %ne3A_62, %ne3A_58 : i1
      %add3A_63 = arith.addi %rem3A, %select_n3A : i32
      %select_n3A_64 = arith.select %and3A, %add3A_63, %rem3A : i32
      %mul3A_65 = arith.constant 3 : i32
      %mul3A_66 = arith.muli %select_n3A_64, %mul3A_65 : i32
      %jit3A_67 = arith.constant 3 : i32
      %eq3A_68 = arith.constant 0 : i32
      %eq3A_69 = arith.cmpi eq, %jit3A_67, %eq3A_68 : i32
      %jit3A_70 = arith.constant 1 : i32
      %select_n3A_71 = arith.select %eq3A_69, %jit3A_70, %jit3A_67 : i32
      %rem3A_72 = arith.remsi %div3A_52, %select_n3A_71 : i32
      %ne3A_73 = arith.constant 0 : i32
      %ne3A_74 = arith.cmpi ne, %rem3A_72, %ne3A_73 : i32
      %lt3A_75 = arith.constant 0 : i32
      %lt3A_76 = arith.cmpi slt, %rem3A_72, %lt3A_75 : i32
      %lt3A_77 = arith.constant 0 : i32
      %lt3A_78 = arith.cmpi slt, %select_n3A_71, %lt3A_77 : i32
      %ne3A_79 = arith.xori %lt3A_76, %lt3A_78 : i1
      %and3A_80 = arith.andi %ne3A_79, %ne3A_74 : i1
      %add3A_81 = arith.addi %rem3A_72, %select_n3A_71 : i32
      %select_n3A_82 = arith.select %and3A_80, %add3A_81, %rem3A_72 : i32
      %add3A_83 = arith.addi %mul3A_66, %select_n3A_82 : i32
      %eq3A_84 = arith.constant 0 : i32
      %eq3A_85 = arith.cmpi eq, %add3A_83, %eq3A_84 : i32
      %eq3A_86 = arith.constant 1 : i32
      %eq3A_87 = arith.cmpi eq, %add3A_83, %eq3A_86 : i32
      %eq3A_88 = arith.constant 2 : i32
      %eq3A_89 = arith.cmpi eq, %add3A_83, %eq3A_88 : i32
      %eq3A_90 = arith.constant 3 : i32
      %eq3A_91 = arith.cmpi eq, %add3A_83, %eq3A_90 : i32
      %eq3A_92 = arith.constant 5 : i32
      %eq3A_93 = arith.cmpi eq, %add3A_83, %eq3A_92 : i32
      %eq3A_94 = arith.constant 6 : i32
      %eq3A_95 = arith.cmpi eq, %add3A_83, %eq3A_94 : i32
      %eq3A_96 = arith.constant 7 : i32
      %eq3A_97 = arith.cmpi eq, %add3A_83, %eq3A_96 : i32
      %eq3A_98 = arith.constant 8 : i32
      %eq3A_99 = arith.cmpi eq, %add3A_83, %eq3A_98 : i32
      %eq3A_100 = arith.constant 8 : i32
      %eq3A_101 = arith.cmpi eq, %add3A_50, %eq3A_100 : i32
      %jit3A_102 = arith.constant 0 : i32
      %jit3A_103 = arith.constant -1 : i32
      %select_n3A_104 = arith.select %eq3A_101, %jit3A_102, %jit3A_103 : i32
      %jit3A_105 = arith.constant 4 : i32
      %select_n3A_106 = arith.select %eq3A_99, %jit3A_105, %select_n3A_104 : i32
      %jit3A_107 = arith.constant -3 : i32
      %select_n3A_108 = arith.select %eq3A_97, %jit3A_107, %select_n3A_106 : i32
      %jit3A_109 = arith.constant -2 : i32
      %select_n3A_110 = arith.select %eq3A_95, %jit3A_109, %select_n3A_108 : i32
      %jit3A_111 = arith.constant 3 : i32
      %select_n3A_112 = arith.select %eq3A_93, %jit3A_111, %select_n3A_110 : i32
      %jit3A_113 = arith.constant -1 : i32
      %select_n3A_114 = arith.select %eq3A_91, %jit3A_113, %select_n3A_112 : i32
      %jit3A_115 = arith.constant 2 : i32
      %select_n3A_116 = arith.select %eq3A_89, %jit3A_115, %select_n3A_114 : i32
      %jit3A_117 = arith.constant 1 : i32
      %select_n3A_118 = arith.select %eq3A_87, %jit3A_117, %select_n3A_116 : i32
      %jit3A_119 = arith.constant -4 : i32
      %select_n3A_120 = arith.select %eq3A_85, %jit3A_119, %select_n3A_118 : i32
      %mul3A_121 = arith.constant 16 : i32
      %mul3A_122 = arith.muli %add3A_39, %mul3A_121 : i32
      %sub3A_123 = vector.broadcast %select_n3A_120 : i32 to vector<16xi32>
      %sub3A_124 = arith.subi %iota3A, %sub3A_123 : vector<16xi32>
      %add3A_125 = arith.constant 16 : i32
      %add3A_126 = vector.broadcast %add3A_125 : i32 to vector<16xi32>
      %add3A_127 = arith.addi %sub3A_124, %add3A_126 : vector<16xi32>
      %and3A_128 = arith.constant 15 : i32
      %and3A_129 = vector.broadcast %and3A_128 : i32 to vector<16xi32>
      %and3A_130 = arith.andi %add3A_127, %and3A_129 : vector<16xi32>
      %add3A_131 = vector.broadcast %mul3A_122 : i32 to vector<16xi32>
      %add3A_132 = arith.addi %add3A_131, %and3A_130 : vector<16xi32>
      %mul3A_133 = arith.constant 16 : i32
      %mul3A_134 = arith.muli %scan3A_38, %mul3A_133 : i32
      %swap3A = arith.index_cast %mul3A_134 : i32 to index
      %swap3A_135 = tpu.vector_load %arg4[%swap3A] {strides = array<i32>} : memref<1568xi32, #tpu.memory_space<vmem>>, vector<16xi32>,
      %swap3A_136 = vector.shape_cast %swap3A_135 : vector<16xi32> to vector<16xi32>
      %swap3A_137 = vector.shape_cast %add3A_132 : vector<16xi32> to vector<16xi32>
      tpu.vector_store %arg4[%swap3A], %swap3A_137 {strides = array<i32>} : memref<1568xi32, #tpu.memory_space<vmem>>, vector<16xi32>,
    }
    %scan3A_9 = arith.constant 98 : i32
    %dma_start3A = arith.constant 0 : i32
    %dma_start3A_10 = tpu.memref_slice %arg4[%dma_start3A] : memref<1568xi32, #tpu.memory_space<vmem>> -> memref<56xi32, #tpu.memory_space<vmem>>
    %dma_start3A_11 = arith.constant 0 : i32
    %dma_start3A_12 = arith.constant 0 : i32
    %dma_start3A_13 = tpu.memref_slice %arg2[%dma_start3A_11, %dma_start3A_12] : memref<50176x768xf32, #tpu.memory_space<hbm>> -> memref<50176x768xf32, #tpu.memory_space<hbm>>
    tpu.enqueue_indirect_dma source(%dma_start3A_13 : memref<50176x768xf32, #tpu.memory_space<hbm>>) target(%arg5 : memref<56x768xf32, #tpu.memory_space<vmem>>) offsets(%dma_start3A_10 : memref<56xi32, #tpu.memory_space<vmem>>) semaphore(%arg7 : memref<!tpu.dma_semaphore, #tpu.memory_space<semaphore_mem>>)
    %dma_start3A_14 = arith.constant 56 : i32
    %dma_start3A_15 = tpu.memref_slice %arg4[%dma_start3A_14] : memref<1568xi32, #tpu.memory_space<vmem>> -> memref<56xi32, #tpu.memory_space<vmem>>
    %dma_start3A_16 = arith.constant 0 : i32
    %dma_start3A_17 = arith.constant 0 : i32
    %dma_start3A_18 = tpu.memref_slice %arg2[%dma_start3A_16, %dma_start3A_17] : memref<50176x768xf32, #tpu.memory_space<hbm>> -> memref<50176x768xf32, #tpu.memory_space<hbm>>
    tpu.enqueue_indirect_dma source(%dma_start3A_18 : memref<50176x768xf32, #tpu.memory_space<hbm>>) target(%arg6 : memref<56x768xf32, #tpu.memory_space<vmem>>) offsets(%dma_start3A_15 : memref<56xi32, #tpu.memory_space<vmem>>) semaphore(%arg8 : memref<!tpu.dma_semaphore, #tpu.memory_space<semaphore_mem>>)
    %scan3A_19 = arith.constant 0 : i32
    %scan3A_20 = arith.constant 0 : i32
    %scan3A_21 = arith.constant 13 : i32
    %scan3A_22 = arith.addi %scan3A_20, %scan3A_21 : i32
    %scan3A_23 = arith.constant 1 : i32
    scf.for %scan3A_38 = %scan3A_20 to %scan3A_22 step %scan3A_23  : i32 {
      %mul3A_39 = arith.constant 2 : i32
      %mul3A_40 = arith.muli %mul3A_39, %scan3A_38 : i32
      %mul3A_41 = arith.constant 56 : i32
      %mul3A_42 = arith.muli %mul3A_40, %mul3A_41 : i32
      %dma_wait3A_43 = tpu.memref_slice %arg4[%mul3A_42] : memref<1568xi32, #tpu.memory_space<vmem>> -> memref<56xi32, #tpu.memory_space<vmem>>
      %dma_wait3A_44 = arith.constant 0 : i32
      %dma_wait3A_45 = arith.constant 0 : i32
      %dma_wait3A_46 = tpu.memref_slice %arg2[%dma_wait3A_44, %dma_wait3A_45] : memref<50176x768xf32, #tpu.memory_space<hbm>> -> memref<50176x768xf32, #tpu.memory_space<hbm>>
      tpu.wait_indirect_dma semaphore(%arg7 : memref<!tpu.dma_semaphore, #tpu.memory_space<semaphore_mem>>) src(%dma_wait3A_46 : memref<50176x768xf32, #tpu.memory_space<hbm>>) dst(%arg5 : memref<56x768xf32, #tpu.memory_space<vmem>>)
      %mul3A_47 = arith.constant 56 : i32
      %mul3A_48 = arith.muli %mul3A_40, %mul3A_47 : i32
      %add3A_49 = arith.addi %mul3A_2, %mul3A_48 : i32
      "tpu.region"() ({
        %run_scoped3A = tpu.sem_alloc : memref<!tpu.dma_semaphore, #tpu.memory_space<semaphore_mem>>
        %dma_start3A_79 = arith.constant 0 : i32
        %dma_start3A_80 = tpu.memref_slice %arg3[%add3A_49, %dma_start3A_79] : memref<50176x768xf32, #tpu.memory_space<hbm>> -> memref<56x768xf32, #tpu.memory_space<hbm>>
        %dma_start3A_81 = arith.constant 0 : i32
        %dma_start3A_82 = tpu.memref_slice %arg3[%add3A_49, %dma_start3A_81] : memref<50176x768xf32, #tpu.memory_space<hbm>> -> memref<56x768xf32, #tpu.memory_space<hbm>>
        tpu.enqueue_dma source(%arg5 : memref<56x768xf32, #tpu.memory_space<vmem>>) target(%dma_start3A_82 : memref<56x768xf32, #tpu.memory_space<hbm>>) target_semaphore(%run_scoped3A : memref<!tpu.dma_semaphore, #tpu.memory_space<semaphore_mem>>)
        %dma_wait3A_83 = arith.constant 0 : i32
        %dma_wait3A_84 = tpu.memref_slice %arg3[%add3A_49, %dma_wait3A_83] : memref<50176x768xf32, #tpu.memory_space<hbm>> -> memref<56x768xf32, #tpu.memory_space<hbm>>
        %dma_wait3A_85 = arith.constant 0 : i32
        %dma_wait3A_86 = tpu.memref_slice %arg3[%add3A_49, %dma_wait3A_85] : memref<50176x768xf32, #tpu.memory_space<hbm>> -> memref<56x768xf32, #tpu.memory_space<hbm>>
        tpu.wait_dma2 semaphore(%run_scoped3A : memref<!tpu.dma_semaphore, #tpu.memory_space<semaphore_mem>>) src(%arg5 : memref<56x768xf32, #tpu.memory_space<vmem>>) dst(%dma_wait3A_86 : memref<56x768xf32, #tpu.memory_space<hbm>>)
        tpu.yield
      }) : () -> ()
      %add3A_50 = arith.constant 2 : i32
      %add3A_51 = arith.addi %mul3A_40, %add3A_50 : i32
      %mul3A_52 = arith.constant 56 : i32
      %mul3A_53 = arith.muli %add3A_51, %mul3A_52 : i32
      %dma_start3A_54 = tpu.memref_slice %arg4[%mul3A_53] : memref<1568xi32, #tpu.memory_space<vmem>> -> memref<56xi32, #tpu.memory_space<vmem>>
      %dma_start3A_55 = arith.constant 0 : i32
      %dma_start3A_56 = arith.constant 0 : i32
      %dma_start3A_57 = tpu.memref_slice %arg2[%dma_start3A_55, %dma_start3A_56] : memref<50176x768xf32, #tpu.memory_space<hbm>> -> memref<50176x768xf32, #tpu.memory_space<hbm>>
      tpu.enqueue_indirect_dma source(%dma_start3A_57 : memref<50176x768xf32, #tpu.memory_space<hbm>>) target(%arg5 : memref<56x768xf32, #tpu.memory_space<vmem>>) offsets(%dma_start3A_54 : memref<56xi32, #tpu.memory_space<vmem>>) semaphore(%arg7 : memref<!tpu.dma_semaphore, #tpu.memory_space<semaphore_mem>>)
      %add3A_58 = arith.constant 1 : i32
      %add3A_59 = arith.addi %mul3A_40, %add3A_58 : i32
      %mul3A_60 = arith.constant 56 : i32
      %mul3A_61 = arith.muli %add3A_59, %mul3A_60 : i32
      %dma_wait3A_62 = tpu.memref_slice %arg4[%mul3A_61] : memref<1568xi32, #tpu.memory_space<vmem>> -> memref<56xi32, #tpu.memory_space<vmem>>
      %dma_wait3A_63 = arith.constant 0 : i32
      %dma_wait3A_64 = arith.constant 0 : i32
      %dma_wait3A_65 = tpu.memref_slice %arg2[%dma_wait3A_63, %dma_wait3A_64] : memref<50176x768xf32, #tpu.memory_space<hbm>> -> memref<50176x768xf32, #tpu.memory_space<hbm>>
      tpu.wait_indirect_dma semaphore(%arg8 : memref<!tpu.dma_semaphore, #tpu.memory_space<semaphore_mem>>) src(%dma_wait3A_65 : memref<50176x768xf32, #tpu.memory_space<hbm>>) dst(%arg6 : memref<56x768xf32, #tpu.memory_space<vmem>>)
      %add3A_66 = arith.constant 1 : i32
      %add3A_67 = arith.addi %mul3A_40, %add3A_66 : i32
      %mul3A_68 = arith.constant 56 : i32
      %mul3A_69 = arith.muli %add3A_67, %mul3A_68 : i32
      %add3A_70 = arith.addi %mul3A_2, %mul3A_69 : i32
      "tpu.region"() ({
        %run_scoped3A = tpu.sem_alloc : memref<!tpu.dma_semaphore, #tpu.memory_space<semaphore_mem>>
        %dma_start3A_79 = arith.constant 0 : i32
        %dma_start3A_80 = tpu.memref_slice %arg3[%add3A_70, %dma_start3A_79] : memref<50176x768xf32, #tpu.memory_space<hbm>> -> memref<56x768xf32, #tpu.memory_space<hbm>>
        %dma_start3A_81 = arith.constant 0 : i32
        %dma_start3A_82 = tpu.memref_slice %arg3[%add3A_70, %dma_start3A_81] : memref<50176x768xf32, #tpu.memory_space<hbm>> -> memref<56x768xf32, #tpu.memory_space<hbm>>
        tpu.enqueue_dma source(%arg6 : memref<56x768xf32, #tpu.memory_space<vmem>>) target(%dma_start3A_82 : memref<56x768xf32, #tpu.memory_space<hbm>>) target_semaphore(%run_scoped3A : memref<!tpu.dma_semaphore, #tpu.memory_space<semaphore_mem>>)
        %dma_wait3A_83 = arith.constant 0 : i32
        %dma_wait3A_84 = tpu.memref_slice %arg3[%add3A_70, %dma_wait3A_83] : memref<50176x768xf32, #tpu.memory_space<hbm>> -> memref<56x768xf32, #tpu.memory_space<hbm>>
        %dma_wait3A_85 = arith.constant 0 : i32
        %dma_wait3A_86 = tpu.memref_slice %arg3[%add3A_70, %dma_wait3A_85] : memref<50176x768xf32, #tpu.memory_space<hbm>> -> memref<56x768xf32, #tpu.memory_space<hbm>>
        tpu.wait_dma2 semaphore(%run_scoped3A : memref<!tpu.dma_semaphore, #tpu.memory_space<semaphore_mem>>) src(%arg6 : memref<56x768xf32, #tpu.memory_space<vmem>>) dst(%dma_wait3A_86 : memref<56x768xf32, #tpu.memory_space<hbm>>)
        tpu.yield
      }) : () -> ()
      %add3A_71 = arith.constant 3 : i32
      %add3A_72 = arith.addi %mul3A_40, %add3A_71 : i32
      %mul3A_73 = arith.constant 56 : i32
      %mul3A_74 = arith.muli %add3A_72, %mul3A_73 : i32
      %dma_start3A_75 = tpu.memref_slice %arg4[%mul3A_74] : memref<1568xi32, #tpu.memory_space<vmem>> -> memref<56xi32, #tpu.memory_space<vmem>>
      %dma_start3A_76 = arith.constant 0 : i32
      %dma_start3A_77 = arith.constant 0 : i32
      %dma_start3A_78 = tpu.memref_slice %arg2[%dma_start3A_76, %dma_start3A_77] : memref<50176x768xf32, #tpu.memory_space<hbm>> -> memref<50176x768xf32, #tpu.memory_space<hbm>>
      tpu.enqueue_indirect_dma source(%dma_start3A_78 : memref<50176x768xf32, #tpu.memory_space<hbm>>) target(%arg6 : memref<56x768xf32, #tpu.memory_space<vmem>>) offsets(%dma_start3A_75 : memref<56xi32, #tpu.memory_space<vmem>>) semaphore(%arg8 : memref<!tpu.dma_semaphore, #tpu.memory_space<semaphore_mem>>)
    }
    %scan3A_24 = arith.constant 13 : i32
    %dma_wait3A = arith.constant 1456 : i32
    %dma_wait3A_25 = tpu.memref_slice %arg4[%dma_wait3A] : memref<1568xi32, #tpu.memory_space<vmem>> -> memref<56xi32, #tpu.memory_space<vmem>>
    %dma_wait3A_26 = arith.constant 0 : i32
    %dma_wait3A_27 = arith.constant 0 : i32
    %dma_wait3A_28 = tpu.memref_slice %arg2[%dma_wait3A_26, %dma_wait3A_27] : memref<50176x768xf32, #tpu.memory_space<hbm>> -> memref<50176x768xf32, #tpu.memory_space<hbm>>
    tpu.wait_indirect_dma semaphore(%arg7 : memref<!tpu.dma_semaphore, #tpu.memory_space<semaphore_mem>>) src(%dma_wait3A_28 : memref<50176x768xf32, #tpu.memory_space<hbm>>) dst(%arg5 : memref<56x768xf32, #tpu.memory_space<vmem>>)
    %add3A_29 = arith.constant 1456 : i32
    %add3A_30 = arith.addi %mul3A_2, %add3A_29 : i32
    "tpu.region"() ({
      %run_scoped3A = tpu.sem_alloc : memref<!tpu.dma_semaphore, #tpu.memory_space<semaphore_mem>>
      %dma_start3A_38 = arith.constant 0 : i32
      %dma_start3A_39 = tpu.memref_slice %arg3[%add3A_30, %dma_start3A_38] : memref<50176x768xf32, #tpu.memory_space<hbm>> -> memref<56x768xf32, #tpu.memory_space<hbm>>
      %dma_start3A_40 = arith.constant 0 : i32
      %dma_start3A_41 = tpu.memref_slice %arg3[%add3A_30, %dma_start3A_40] : memref<50176x768xf32, #tpu.memory_space<hbm>> -> memref<56x768xf32, #tpu.memory_space<hbm>>
      tpu.enqueue_dma source(%arg5 : memref<56x768xf32, #tpu.memory_space<vmem>>) target(%dma_start3A_41 : memref<56x768xf32, #tpu.memory_space<hbm>>) target_semaphore(%run_scoped3A : memref<!tpu.dma_semaphore, #tpu.memory_space<semaphore_mem>>)
      %dma_wait3A_42 = arith.constant 0 : i32
      %dma_wait3A_43 = tpu.memref_slice %arg3[%add3A_30, %dma_wait3A_42] : memref<50176x768xf32, #tpu.memory_space<hbm>> -> memref<56x768xf32, #tpu.memory_space<hbm>>
      %dma_wait3A_44 = arith.constant 0 : i32
      %dma_wait3A_45 = tpu.memref_slice %arg3[%add3A_30, %dma_wait3A_44] : memref<50176x768xf32, #tpu.memory_space<hbm>> -> memref<56x768xf32, #tpu.memory_space<hbm>>
      tpu.wait_dma2 semaphore(%run_scoped3A : memref<!tpu.dma_semaphore, #tpu.memory_space<semaphore_mem>>) src(%arg5 : memref<56x768xf32, #tpu.memory_space<vmem>>) dst(%dma_wait3A_45 : memref<56x768xf32, #tpu.memory_space<hbm>>)
      tpu.yield
    }) : () -> ()
    %dma_wait3A_31 = arith.constant 1512 : i32
    %dma_wait3A_32 = tpu.memref_slice %arg4[%dma_wait3A_31] : memref<1568xi32, #tpu.memory_space<vmem>> -> memref<56xi32, #tpu.memory_space<vmem>>
    %dma_wait3A_33 = arith.constant 0 : i32
    %dma_wait3A_34 = arith.constant 0 : i32
    %dma_wait3A_35 = tpu.memref_slice %arg2[%dma_wait3A_33, %dma_wait3A_34] : memref<50176x768xf32, #tpu.memory_space<hbm>> -> memref<50176x768xf32, #tpu.memory_space<hbm>>
    tpu.wait_indirect_dma semaphore(%arg8 : memref<!tpu.dma_semaphore, #tpu.memory_space<semaphore_mem>>) src(%dma_wait3A_35 : memref<50176x768xf32, #tpu.memory_space<hbm>>) dst(%arg6 : memref<56x768xf32, #tpu.memory_space<vmem>>)
    %add3A_36 = arith.constant 1512 : i32
    %add3A_37 = arith.addi %mul3A_2, %add3A_36 : i32
    "tpu.region"() ({
      %run_scoped3A = tpu.sem_alloc : memref<!tpu.dma_semaphore, #tpu.memory_space<semaphore_mem>>
      %dma_start3A_38 = arith.constant 0 : i32
      %dma_start3A_39 = tpu.memref_slice %arg3[%add3A_37, %dma_start3A_38] : memref<50176x768xf32, #tpu.memory_space<hbm>> -> memref<56x768xf32, #tpu.memory_space<hbm>>
      %dma_start3A_40 = arith.constant 0 : i32
      %dma_start3A_41 = tpu.memref_slice %arg3[%add3A_37, %dma_start3A_40] : memref<50176x768xf32, #tpu.memory_space<hbm>> -> memref<56x768xf32, #tpu.memory_space<hbm>>
      tpu.enqueue_dma source(%arg6 : memref<56x768xf32, #tpu.memory_space<vmem>>) target(%dma_start3A_41 : memref<56x768xf32, #tpu.memory_space<hbm>>) target_semaphore(%run_scoped3A : memref<!tpu.dma_semaphore, #tpu.memory_space<semaphore_mem>>)
      %dma_wait3A_42 = arith.constant 0 : i32
      %dma_wait3A_43 = tpu.memref_slice %arg3[%add3A_37, %dma_wait3A_42] : memref<50176x768xf32, #tpu.memory_space<hbm>> -> memref<56x768xf32, #tpu.memory_space<hbm>>
      %dma_wait3A_44 = arith.constant 0 : i32
      %dma_wait3A_45 = tpu.memref_slice %arg3[%add3A_37, %dma_wait3A_44] : memref<50176x768xf32, #tpu.memory_space<hbm>> -> memref<56x768xf32, #tpu.memory_space<hbm>>
      tpu.wait_dma2 semaphore(%run_scoped3A : memref<!tpu.dma_semaphore, #tpu.memory_space<semaphore_mem>>) src(%arg6 : memref<56x768xf32, #tpu.memory_space<vmem>>) dst(%dma_wait3A_45 : memref<56x768xf32, #tpu.memory_space<hbm>>)
      tpu.yield
    }) : () -> ()
    return
  }
}

</mosaic_0001>

<sc_bundles>
// kernel: kernel.3.cloned.1.call-start
scs
__scs_entry_jumppad:
0x0: {  	(pc) =	sbr.rel $0x88, $3  }
0x1: {  	(tag) =	ssettag $0x0;
	lr =	simm.s32 $0x1  }
0x2: {  	[smem:$0x3FA0] =	sst lr;
	_ =	strace $0xD0000000  }
0x3: {  	_ = 	snop  }
0x4: {  	_ = 	snop  }
0x5: {  	_ = 	snop  }
0x6: {  	_ = 	snop  }
0x7: {  	_ = 	snop  }
__scs_overlays_trampoline_lowered:
0x8: {  	[smem:$0x3FAF] =	sst s0  }
0x9: {  	[smem:$0x3FB0] =	sst s1  }
0xa: {  	[smem:$0x3FB1] =	sst s2  }
0xb: {  	[smem:$0x3FB2] =	sst s3  }
0xc: {  	[smem:$0x3FB3] =	sst s4  }
0xd: {  	[smem:$0x3FB4] =	sst s5  }
0xe: {  	[smem:$0x3FB5] =	sst s6  }
0xf: {  	[smem:$0x3FB6] =	sst s7  }
0x10: {  	[smem:$0x3FB7] =	sst s8  }
0x11: {  	[smem:$0x3FB8] =	sst s9;
	s0 =	simm.s32 @!p0 $0x0  }
0x12: {  	s1 =	sld [smem:$0x3F9E];
	s0 =	simm.s32 @p0 $0x1  }
0x13: {  	[smem:$0x3FB9] =	sst s0;
	s0 =	simm.s32 @!p1 $0x0  }
0x14: {  	s2 =	sld [smem:$0x3F9D];
	s0 =	simm.s32 @p1 $0x1  }
0x15: {  	[smem:$0x3FBA] =	sst s0;
	s0 =	simm.s32 @!p2 $0x0  }
0x16: {  	s3 =	sld [smem:$0x3FDB];
	s0 =	simm.s32 @p2 $0x1  }
0x17: {  	s4 =	simm.s32 $0x1BF5;
	[smem:$0x3FBC] =	sst s0  }
0x18: {  	s0 =	sld [smem:$0x3F9F];
	_ =	swait.ge [sflag:s4], $0x0  }
0x19: {  	s7 =	sld [smem:$0x3FA0]  }
0x1a: {  	s8 =	sadd.s32 $0xFFFFE003, lr  }
0x1b: {  	s9 =	sadd.s32 $0xFFFFFEF7, lr;
	s5 =	simm.s32 $0xFFFFFFFF;
	p2 =	slt.u32 s8, $0xFFFFF086  }
0x1c: {  	p1 =	slt.u32 s9, $0xF7A;
	s5 =	simm.s32 @!p2 $0x0  }
0x1d: {  	s5 =	simm.s32 @p1 $0x1;
	p0 =	seq.s32 s7, s2  }
0x1e: {  	s7 =	smul.u32 @!p0 $0xF7A, s2;
	p2 =	seq.s32 @!p0 s5, $0x0  }
0x1f: {  	s9 =	smul.u32 $0xF7A, s1;
	s8 =	simm.s32 @!p0 $0x1BF5;
	p2 =	por !p2, p0  }
0x20: {  	[sflag:s8] =	ssyncset.s32 @!p0 $0xFFFFF086;
	s6 =	sadd.s32 @!p0 s3, s7;
	s7 =	simm.s32 @!p0 $0x108  }
0x21: {  	s3 =	sadd.s32 s3, s9;
	s6 =	sadd.s32 @!p0 $0x88, s6;
	s7 =	simm.s32 @p2 $0x1082  }
0x22: {  	[simem:s7], [sflag:s8] =	dma.local @!p0 [hbm:s6], $0xF7A  }
0x23: {  	s9 =	sor.u32 $0xD0000000, s2;
	s6 =	simm.s32 $0x108;
	_ =	swait.ge @!p0 [sflag:s8], $0x0  }
0x24: {  	s3 =	sadd.s32 $0x88, s3;
	s6 =	simm.s32 @!p1 $0x1082;
	[sflag:s4] =	ssyncset.s32 $0xFFFFF086  }
0x25: {  	[simem:s6], [sflag:s4] =	dma.local [hbm:s3], $0xF7A  }
0x26: {  	[smem:$0x3FA0] =	sst s1;
	(tag) =	ssettag s2;
	_ =	strace s9  }
0x27: {  	s1 =	sld [smem:$0x3FB0]  }
0x28: {  	s2 =	sld [smem:$0x3FB1]  }
0x29: {  	s4 =	sld [smem:$0x3FB3]  }
0x2a: {  	p0 =	seq.s32 s5, $0x0;
	s5 =	sld [smem:$0x3FB4]  }
0x2b: {  	s6 =	sld [smem:$0x3FB5]  }
0x2c: {  	s7 =	sld [smem:$0x3FB6]  }
0x2d: {  	s3 =	simm.s32 $0x108;
	s8 =	sld [smem:$0x3FB7]  }
0x2e: {  	s3 =	simm.s32 @!p0 $0x1082;
	s9 =	sld [smem:$0x3FB8]  }
0x2f: {  	lr =	sadd.s32 s0, s3;
	s0 =	sld [smem:$0x3FAF]  }
0x30: {  	s3 =	sld [smem:$0x3FB2]  }
0x31: {  	[smem:$0x3FBB] =	sst s10  }
0x32: {  	s10 =	sld [smem:$0x3FB9];
	_ =	sdelay $0x3  }
0x33: {  	p0 =	seq.s32 s10, $0x1;
	s10 =	sld [smem:$0x3FBB];
	_ =	sdelay $0x3  }
0x34: {  	[smem:$0x3FBB] =	sst s10  }
0x35: {  	s10 =	sld [smem:$0x3FBA];
	_ =	sdelay $0x3  }
0x36: {  	p1 =	seq.s32 s10, $0x1;
	s10 =	sld [smem:$0x3FBB];
	_ =	sdelay $0x3  }
0x37: {  	[smem:$0x3FBB] =	sst s10  }
0x38: {  	s10 =	sld [smem:$0x3FBC]  }
0x39: {  	_ = 	snop;
	(pc) =	sbr.ind lr, $3  }
0x3a: {  	_ = 	snop  }
0x3b: {  	_ = 	snop  }
0x3c: {  	p2 =	seq.s32 s10, $0x1;
	s10 =	sld [smem:$0x3FBB]  }
0x3d: {  	_ =	shalt  }
0x3e: {  	_ =	shalt  }
0x3f: {  	_ =	shalt  }
0x40: {  	_ =	shalt  }
0x41: {  	_ =	shalt  }
0x42: {  	_ =	shalt  }
0x43: {  	_ =	shalt  }
0x44: {  	_ =	shalt  }
0x45: {  	_ =	shalt  }
0x46: {  	_ =	shalt  }
0x47: {  	_ =	shalt  }
0x48: {  	_ =	shalt  }
0x49: {  	_ =	shalt  }
0x4a: {  	_ =	shalt  }
0x4b: {  	_ =	shalt  }
0x4c: {  	_ =	shalt  }
0x4d: {  	_ =	shalt  }
0x4e: {  	_ =	shalt  }
0x4f: {  	_ =	shalt  }
0x50: {  	_ =	shalt  }
0x51: {  	_ =	shalt  }
0x52: {  	_ =	shalt  }
0x53: {  	_ =	shalt  }
0x54: {  	_ =	shalt  }
0x55: {  	_ =	shalt  }
0x56: {  	_ =	shalt  }
0x57: {  	_ =	shalt  }
0x58: {  	_ =	shalt  }
0x59: {  	_ =	shalt  }
0x5a: {  	_ =	shalt  }
0x5b: {  	_ =	shalt  }
0x5c: {  	_ =	shalt  }
0x5d: {  	_ =	shalt  }
0x5e: {  	_ =	shalt  }
0x5f: {  	_ =	shalt  }
0x60: {  	_ =	shalt  }
0x61: {  	_ =	shalt  }
0x62: {  	_ =	shalt  }
0x63: {  	_ =	shalt  }
0x64: {  	_ =	shalt  }
0x65: {  	_ =	shalt  }
0x66: {  	_ =	shalt  }
0x67: {  	_ =	shalt  }
0x68: {  	_ =	shalt  }
0x69: {  	_ =	shalt  }
0x6a: {  	_ =	shalt  }
0x6b: {  	_ =	shalt  }
0x6c: {  	_ =	shalt  }
0x6d: {  	_ =	shalt  }
0x6e: {  	_ =	shalt  }
0x6f: {  	_ =	shalt  }
0x70: {  	_ =	shalt  }
0x71: {  	_ =	shalt  }
0x72: {  	_ =	shalt  }
0x73: {  	_ =	shalt  }
0x74: {  	_ =	shalt  }
0x75: {  	_ =	shalt  }
0x76: {  	_ =	shalt  }
0x77: {  	_ =	shalt  }
0x78: {  	_ =	shalt  }
0x79: {  	_ =	shalt  }
0x7a: {  	_ =	shalt  }
0x7b: {  	_ =	shalt  }
0x7c: {  	_ =	shalt  }
0x7d: {  	_ =	shalt  }
0x7e: {  	_ =	shalt  }
0x7f: {  	_ =	shalt  }
0x80: {  	_ =	shalt  }
0x81: {  	_ =	shalt  }
0x82: {  	_ =	shalt  }
0x83: {  	_ =	shalt  }
0x84: {  	_ =	shalt  }
0x85: {  	_ =	shalt  }
0x86: {  	_ =	shalt  }
0x87: {  	_ =	shalt  }
.Lfunc_end0:
.L_simem_size_0:
called_computation_lowered:
.L_overlay_start_0:
0x88: {  	s2 =	sld [smem:$0x3FD9]  }
0x89: {  	s3 =	sld [smem:$0x3FFE];
	_ =	sdelay $0x1  }
0x8a: {  	s1 =	srdreg.scid  }
0x8b: {  	s0 =	sand.u32 $0x1, s1  }
0x8c: {  	s18 =	sshll.u32 s0, $0xA;
	s2 =	sadd.s32 s3, s2  }
0x8d: {  	s2 =	sadd.s32 s2, s18  }
0x8e: {  	[smem:$0x3FC7] =	sst s2  }
0x8f: {  	_ = 	snop  }
0x90: {  	s2 =	sld [smem:$0x3FC9]  }
0x91: {  	s19 =	sld [smem:$0x3FD0];
	(tm) =	ssettm $0x1  }
0x92: {  	s4 =	sld [smem:$0x3FFB];
	_ =	sdelay $0x3  }
0x93: {  	_ =	strace s4  }
0x94: {  	s4 =	sld [smem:$0x3FFC];
	_ =	sdelay $0x3  }
0x95: {  	_ =	strace s4  }
0x96: {  	s4 =	sld [smem:$0x3FFD];
	_ =	sdelay $0x3  }
0x97: {  	_ =	strace s4  }
0x98: {  	_ =	strace $0x8FFFFFFF  }
0x99: {  	s20 =	sld [smem:$0x3FDB];
	_ =	sdelay $0x1  }
0x9a: {  	s5 =	simm.s32 $_scs_section_size  }
0x9b: {  	s6 =	simm.s32 $_size__tile_overlayer_lowered;
	s7 =	simm.s32 $_tile_overlayer_lowered  }
0x9c: {  	s23 =	simm.s32 $0x1BFF;
	s22 =	sshll.u32 s7, $0x1;
	s4 =	sadd.s32 s5, s20  }
0x9d: {  	s8 =	simm.s32 $0x0;
	s21 =	sshll.u32 s6, $0x1;
	s6 =	sadd.s32 s22, s4  }
0x9e: {  	[timem:s8], [sflag:s23] =	dma.local [hbm:s6], s21  }
0x9f: {  	_ =	swait.ge [sflag:s23], s21  }
0xa0: {  	s5 =	ssub.s32 $0x0, s21;
	[sflag:s23] =	ssyncset.done $0x0  }
0xa1: {  	[sflag:s23] =	ssyncadd.s32 s5;
	_ =	sdelay $0x1  }
0xa2: {  	s24 =	simm.s32 $0x1B8B  }
0xa3: {  	_ =	swait.ge [sflag:s24], $0x1  }
0xa4: {  	[sflag:s24] =	ssyncset.done $0x0  }
0xa5: {  	s25 =	simm.s32 $0x1B8E;
	[sflag:s24] =	ssyncadd.s32 $0xFFFFFFFF  }
0xa6: {  	s26 =	simm.s32 $execute0_lowered;
	[smem:$0x3FD2] =	sst s25  }
0xa7: {  	s5 =	sshll.u32 s26, $0x1;
	_ =	strace $0x80000046;
	[dreg:$0x1] =	wrdreg $0xFFFFFFFF  }
0xa8: {  	s28 =	simm.s32 $_size_execute0_lowered;
	s4 =	sadd.s32 s4, s5;
	[dreg:$0x0] =	wrdreg $0x0  }
0xa9: {  	s5 =	sshll.u32 s28, $0x1;
	[dreg:$0x2] =	wrdreg s4  }
0xaa: {  	[dreg:$0x3] =	wrdreg s5  }
0xab: {  	[dreg:$0x4] =	wrdreg $0xC0  }
0xac: {  	_ =	task [dreg:s8], $0x5FFFF  }
0xad: {  	[dreg:$0x1] =	wrdreg $0xFFFFFFFF  }
0xae: {  	[dreg:$0x0] =	wrdreg $0x60  }
0xaf: {  	[dreg:$0x2] =	wrdreg s2  }
0xb0: {  	[dreg:$0x3] =	wrdreg s19  }
0xb1: {  	[dreg:$0x4] =	wrdreg $0x9  }
0xb2: {  	_ =	task.clear_ibuf [dreg:s8], $0x5FFFF;
	_ =	strace $0x90000046  }
0xb3: {  	s29 =	simm.s32 $0x9;
	_ =	strace $0x80000048  }
0xb4: {  	_ =	swait.ge [sflag:s29], $0x1  }
0xb5: {  	[sflag:s29] =	ssyncadd.s32 $0xFFFFFFFF  }
0xb6: {  	_ =	strace $0x90000048  }
0xb7: {  	_ =	sfence  }
0xb8: {  	s30 =	sld [smem:$0x0];
	_ =	sdelay $0x2  }
0xb9: {  	s31 =	sshll.u32 s1, $0xD;
	s1 =	sshrl.u32 s1, $0x2  }
0xba: {  	s3 =	sand.u32 $0x4000, s31;
	s1 =	sadd.s32 s1, s30  }
0xbb: {  	s0 =	sor.u32 s3, s0;
	s1 =	sshll.u32 s1, $0x11  }
0xbc: {  	s0 =	sor.u32 s1, s0  }
0xbd: {  	s0 =	sadd.s32 $0x8F2B, s0  }
0xbe: {  	[sflag:s0] =	ssyncadd.remote.s32 $0x1  }
0xbf: {  	_ =	sfence.sel $0xFFFF  }
0xc0: {  	[dreg:$0x0] =	wrdreg $0xFFFFFFFF;
	(pc) =	sbr.abs _section_cstart, $3  }
0xc1: {  	[dreg:$0x1] =	wrdreg $0xFFFFFFFF  }
0xc2: {  	_ =	task.clear_ibuf [dreg:s8], $0x2FFFF;
	_ =	strace $0x9FFFFFFF  }
0xc3: {  	(tm) =	ssettm $0x7FFFFFFF  }
tec
execute0_lowered:
.L_overlay_start_1:
0x0: {  	(tag) =	ssettag $0x1  }
0x1: {  	s2 =	rddreg [dreg:$0x0];
	s0 =	srdreg.scid  }
0x2: {  	s10 =	stileid.u32;
	s1 =	rddreg [dreg:$0x1]  }
0x3: {  	s3 =	simm.s32 $0x0;
	s29 =	simm.s32 $0x3;
	s30 =	simm.s32 $0x2  }
0x4: {  	s22 =	simm.s32 $0x7680;
	s28 =	simm.s32 $0x9E80;
	s7 =	smul.u32 $0xC40, s10  }
0x5: {  	s0 =	sand.u32 $0x1, s0;
	s4 =	sshll.u32 s10, $0x1;
	s25 =	smul.u32 $0xC4, s10  }
0x6: {  	[smem:$0x7FF] =	sst s3;
	s5 =	ssub.s32 $0x2, s0;
	s9 =	smul.u32 $0x620, s0  }
0x7: {  	s4 =	sor.u32 s0, s4;
	s0 =	smul.u32 $0x62, s0;
	s6 =	sshrl.u32 s5, $0x1  }
0x8: {  	_ =	strace $0x80000047;
	s4 =	smul.u32 $0x620, s4;
	s6 =	ssub.s32 s5, s6  }
0x9: {  	s7 =	sadd.s32 s9, s7;
	s5 =	sadd.s32 $0x200, s2;
	s0 =	sadd.s32 s0, s25  }
0xa: {  	s25 =	simm.s32 $0x8E80;
	s8 =	sshrl.u32 s4, $0x3;
	s4 =	sadd.s32 $0x5E8, s4  }
0xb: {  	s26 =	sshrl.u32 s7, $0x3;
	s7 =	sadd.s32 $0x38, s7;
	s6 =	smax.u32 s6, $0x1  }
0xc: {  	[dreg:$0x8] =	wrdreg s0;
	s0 =	simm.s32 $0x0;
	s23 =	smul.u32 $0x300, s8  }
0xd: {  	s24 =	sshrl.u32 s4, $0x3;
	s4 =	sadd.s32 $0x100, s2;
	s10 =	smul.u32 $0x300, s26  }
0xe: {  	s7 =	sshrl.u32 s7, $0x3;
	[dreg:$0x7] =	wrdreg s6;
	s26 =	simm.s32 $0x9680  }
0xf: {  	s8 =	smul.u32 $0x300, s24;
	s11 =	sadd.s32 s1, s23;
	s31 =	sadd.s32 s10, s1  }
0x10: {  	s7 =	smul.u32 $0x300, s7;
	s11 =	sadd.s32 $0x22200, s11;
	[dreg:$0x3] =	wrdreg s31  }
0x11: {  	v0 =	vlaneseq.u32;
	s24 =	simm.s32 $0x8680;
	s8 =	sadd.s32 s1, s8;
	[dreg:$0x5] =	wrdreg s11  }
0x12: {  	vm0 =	vmmov $0xffff;
	v2 =	vshrl.u32 v0, $0x3;
	s10 =	simm.s32 $0x1;
	s1 =	sadd.s32 s7, s1;
	[dreg:$0x6] =	wrdreg s8  }
0x13: {  	v1 =	vand.u32 $0x7, v0;
	v3 =	vor.u32 $0x8, v0;
	v2 =	vmul.u32 $0x8, v2;
	s23 =	simm.s32 $0x7E80;
	[dreg:$0x4] =	wrdreg s1;
	s11 =	simm.s32 $0x680  }
.LBB2_1:
0x14: {  	s19 =	rddreg [dreg:$0x8]  }
0x15: {  	s1 =	smulhi.u32 $0x5397829D, s19;
	_ =	sdelay $0x1  }
0x16: {  	s1 =	sshrl.u32 s1, $0x6  }
0x17: {  	s1 =	smul.u32 $0xC4, s1;
	_ =	sdelay $0x1  }
0x18: {  	s9 =	ssub.s32 s19, s1  }
0x19: {  	s1 =	smul.u32 $0x25, s9;
	_ =	sdelay $0x1  }
0x1a: {  	s1 =	sshrl.u32 s1, $0x8  }
0x1b: {  	s6 =	ssub.s32 s9, s1  }
0x1c: {  	s6 =	sand.u32 $0xFE, s6  }
0x1d: {  	s6 =	sshrl.u32 s6, $0x1  }
0x1e: {  	s1 =	sadd.s32 s1, s6  }
0x1f: {  	s1 =	sand.u32 $0xFC, s1  }
0x20: {  	s7 =	sshrl.u32 s1, $0x2  }
0x21: {  	s31 =	sadd.s32 $0x1, s19;
	s1 =	smul.u32 $0xFFF9, s7  }
0x22: {  	s8 =	smulhi.u32 $0x5397829D, s31  }
0x23: {  	s1 =	sadd.s32 s9, s1  }
0x24: {  	s8 =	sshrl.u32 s8, $0x6;
	s14 =	sshll.u32 s1, $0x10  }
0x25: {  	s8 =	smul.u32 $0xC4, s8;
	s6 =	sshra.s32 s14, $0x10  }
0x26: {  	s6 =	smul.u32 $0x5556, s6  }
0x27: {  	s8 =	ssub.s32 s31, s8  }
0x28: {  	s15 =	smul.u32 $0x25, s8;
	s12 =	sshrl.u32 s6, $0x1F;
	s6 =	sshrl.u32 s6, $0x10  }
0x29: {  	s13 =	smul.u32 $0x56, s7;
	s6 =	sadd.s32 s12, s6  }
0x2a: {  	s6 =	smul.u32 $0x3, s6  }
0x2b: {  	s16 =	sshrl.u32 s13, $0x8;
	s12 =	sshrl.u32 s15, $0x8  }
0x2c: {  	s15 =	smul.u32 $0x3, s16;
	s16 =	ssub.s32 s8, s12;
	s6 =	ssub.s32 s1, s6  }
0x2d: {  	[dreg:$0x9] =	wrdreg s0;
	s17 =	sand.u32 $0xFE, s16;
	s6 =	sshll.u32 s6, $0x10  }
0x2e: {  	s15 =	ssub.s32 s7, s15;
	s7 =	sadd.s32 $0x1, s31;
	s14 =	sshra.s32 s6, $0x10  }
0x2f: {  	s18 =	smulhi.u32 $0x5397829D, s7;
	p0 =	slt.s32 s14, $0x0;
	s13 =	sadd.s32 $0x3, s14  }
0x30: {  	s1 =	simm.s32 $0x40;
	s15 =	sand.u32 $0xFF, s15;
	s14 =	smov.u32 @p0 s13  }
0x31: {  	s6 =	simm.s32 $0x80;
	s21 =	sshrl.u32 s18, $0x6;
	s14 =	smul.u32 $0x3, s14  }
0x32: {  	s18 =	smul.u32 $0xC4, s21;
	s13 =	sshrl.u32 s17, $0x1;
	p0 =	sne.s32 s9, $0x8  }
0x33: {  	s12 =	sadd.s32 s12, s13;
	s13 =	simm.s32 $0x1;
	s15 =	sadd.s32 s15, s14  }
0x34: {  	s20 =	sand.u32 $0xFC, s12;
	s13 =	simm.s32 @!p0 $0x0;
	p1 =	seq.s32 s15, $0x8  }
0x35: {  	s14 =	sshrl.u32 s20, $0x2;
	p0 =	seq.s32 s15, $0x7;
	s13 =	simm.s32 @p1 $0xFFFFFFFC  }
0x36: {  	s9 =	smul.u32 $0xFFF9, s14;
	p1 =	seq.s32 s15, $0x6;
	s13 =	simm.s32 @p0 $0x3  }
0x37: {  	s12 =	smov.u32 s19;
	p0 =	seq.s32 s15, $0x5;
	s13 =	simm.s32 @p1 $0x2  }
0x38: {  	s16 =	sadd.s32 s8, s9;
	p1 =	seq.s32 s15, $0x3;
	s13 =	simm.s32 @p0 $0xFFFFFFFD  }
0x39: {  	s9 =	sshll.u32 s16, $0x10;
	p0 =	seq.s32 s15, $0x2;
	s13 =	simm.s32 @p1 $0x1  }
0x3a: {  	s9 =	sshra.s32 s9, $0x10;
	p1 =	seq.s32 s15, $0x1;
	s13 =	simm.s32 @p0 $0xFFFFFFFE  }
0x3b: {  	s17 =	smul.u32 $0x5556, s9;
	p0 =	seq.s32 s15, $0x0;
	s13 =	simm.s32 @p1 $0xFFFFFFFF  }
0x3c: {  	s9 =	simm.s32 $0x0;
	s15 =	simm.s32 $0xC0;
	s13 =	simm.s32 @p0 $0x4  }
.LBB2_2:
0x3d: {  	s19 =	sshrl.u32 s17, $0x1F;
	s17 =	sshrl.u32 s17, $0x10  }
0x3e: {  	p0 =	sne.s32 s15, $0x1840;
	v4 =	vadd.s32 s13, v0;
	s12 =	sshll.u32 s12, $0x4;
	s13 =	sadd.s32 s19, s17  }
0x3f: {  	v4 =	vand.u32 $0xF, v4;
	s17 =	smov.u32 s8;
	s8 =	ssub.s32 s7, s18;
	s13 =	smul.u32 $0x3, s13  }
0x40: {  	s9 =	sshra.s32 s9, $0x2;
	v4 =	vor.u32 s12, v4;
	s18 =	smul.u32 $0x25, s8;
	s12 =	smov.u32 s31  }
0x41: {  	s31 =	smov.u32 s7;
	s7 =	sadd.s32 $0x1, s7;
	[tilespmem:s9+$0x0] =	vst v4;
	s9 =	smov.u32 s1  }
0x42: {  	s1 =	smov.u32 s6;
	s13 =	ssub.s32 s16, s13;
	s16 =	smul.u32 $0x56, s14  }
0x43: {  	s6 =	smov.u32 s15;
	s18 =	sshrl.u32 s18, $0x8;
	s13 =	sshll.u32 s13, $0x10  }
0x44: {  	s20 =	ssub.s32 s8, s18;
	s13 =	sshra.s32 s13, $0x10;
	s16 =	sshrl.u32 s16, $0x8  }
0x45: {  	p1 =	slt.s32 s13, $0x0;
	s19 =	sadd.s32 $0x3, s13;
	s16 =	smul.u32 $0x3, s16  }
0x46: {  	s13 =	smov.u32 @p1 s19;
	s19 =	sand.u32 $0xFE, s20;
	p1 =	sne.s32 s17, $0x8  }
0x47: {  	s13 =	smul.u32 $0x3, s13;
	s14 =	ssub.s32 s14, s16;
	s19 =	sshrl.u32 s19, $0x1  }
0x48: {  	s16 =	smulhi.u32 $0x5397829D, s7;
	s14 =	sand.u32 $0xFF, s14;
	s18 =	sadd.s32 s18, s19  }
0x49: {  	s19 =	sadd.s32 s14, s13;
	s14 =	sand.u32 $0xFC, s18;
	s13 =	simm.s32 $0x1  }
0x4a: {  	p2 =	seq.s32 s19, $0x8;
	s13 =	simm.s32 @!p1 $0x0;
	s14 =	sshrl.u32 s14, $0x2  }
0x4b: {  	p1 =	seq.s32 s19, $0x7;
	s13 =	simm.s32 @p2 $0xFFFFFFFC;
	s17 =	smul.u32 $0xFFF9, s14  }
0x4c: {  	s18 =	sshrl.u32 s16, $0x6;
	p2 =	seq.s32 s19, $0x6;
	s13 =	simm.s32 @p1 $0x3  }
0x4d: {  	p1 =	seq.s32 s19, $0x5;
	s13 =	simm.s32 @p2 $0x2;
	s16 =	sadd.s32 s8, s17  }
.Ltmp0:
0x4e: {  	p2 =	seq.s32 s19, $0x3;
	s13 =	simm.s32 @p1 $0xFFFFFFFD;
	(pc) =	sbr.rel @p0 .LBB2_2-.Ltmp0, $4  }
0x4f: {  	s17 =	sshll.u32 s16, $0x10;
	p1 =	seq.s32 s19, $0x2;
	s13 =	simm.s32 @p2 $0x1  }
0x50: {  	s17 =	sshra.s32 s17, $0x10;
	p2 =	seq.s32 s19, $0x1;
	s13 =	simm.s32 @p1 $0xFFFFFFFE  }
0x51: {  	s17 =	smul.u32 $0x5556, s17;
	p1 =	seq.s32 s19, $0x0;
	s13 =	simm.s32 @p2 $0xFFFFFFFF  }
0x52: {  	s15 =	sadd.s32 $0x40, s15;
	s18 =	smul.u32 $0xC4, s18;
	s13 =	simm.s32 @p1 $0x4  }
0x53: {  	_ = 	snop  }
0x54: {  	s15 =	ssub.s32 s7, s18  }
0x55: {  	s18 =	smul.u32 $0x25, s15;
	_ =	sdelay $0x1  }
0x56: {  	s18 =	sshrl.u32 s18, $0x8  }
0x57: {  	s19 =	ssub.s32 s15, s18  }
0x58: {  	s19 =	sand.u32 $0xFE, s19  }
0x59: {  	s19 =	sshrl.u32 s19, $0x1  }
0x5a: {  	s18 =	sadd.s32 s18, s19  }
0x5b: {  	s18 =	sand.u32 $0xFC, s18  }
0x5c: {  	s18 =	sshrl.u32 s18, $0x2  }
0x5d: {  	s21 =	smul.u32 $0xFFF9, s18;
	_ =	sdelay $0x1  }
0x5e: {  	s20 =	sshrl.u32 s17, $0x1F;
	s0 =	sshrl.u32 s17, $0x10;
	s19 =	sadd.s32 s15, s21  }
0x5f: {  	s17 =	sadd.s32 s20, s0;
	s0 =	smul.u32 $0x56, s14;
	s21 =	sshll.u32 s19, $0x10  }
0x60: {  	s17 =	smul.u32 $0x3, s17;
	s20 =	sshra.s32 s21, $0x10  }
0x61: {  	s20 =	smul.u32 $0x5556, s20  }
0x62: {  	s16 =	ssub.s32 s16, s17;
	s17 =	sshrl.u32 s0, $0x8  }
0x63: {  	s16 =	sshll.u32 s16, $0x10;
	s21 =	sshrl.u32 s20, $0x1F;
	s20 =	sshrl.u32 s20, $0x10  }
0x64: {  	s17 =	smul.u32 $0x3, s17;
	s16 =	sshra.s32 s16, $0x10;
	s20 =	sadd.s32 s21, s20  }
0x65: {  	p0 =	slt.s32 s16, $0x0;
	s21 =	sadd.s32 $0x3, s16;
	s20 =	smul.u32 $0x3, s20  }
0x66: {  	s0 =	smul.u32 $0x56, s18;
	s16 =	smov.u32 @p0 s21  }
0x67: {  	s21 =	ssub.s32 s14, s17;
	s16 =	smul.u32 $0x3, s16;
	s19 =	ssub.s32 s19, s20  }
0x68: {  	s14 =	sand.u32 $0xFF, s21;
	s19 =	sshll.u32 s19, $0x10  }
0x69: {  	s0 =	sshrl.u32 s0, $0x8;
	s14 =	sadd.s32 s14, s16;
	s17 =	sshra.s32 s19, $0x10  }
0x6a: {  	s19 =	smul.u32 $0x3, s0;
	p1 =	seq.s32 s14, $0x8;
	p4 =	seq.s32 s14, $0x6  }
0x6b: {  	p5 =	seq.s32 s14, $0x5;
	p0 =	slt.s32 s17, $0x0;
	s20 =	sadd.s32 $0x3, s17  }
0x6c: {  	p3 =	seq.s32 s14, $0x3;
	s17 =	smov.u32 @p0 s20;
	s18 =	ssub.s32 s18, s19  }
0x6d: {  	p0 =	sne.s32 s8, $0x8;
	s8 =	simm.s32 $0x1;
	s17 =	smul.u32 $0x3, s17  }
0x6e: {  	p2 =	seq.s32 s14, $0x1;
	s16 =	sand.u32 $0xFF, s18;
	s8 =	simm.s32 @!p0 $0x0  }
0x6f: {  	p0 =	seq.s32 s14, $0x7;
	s8 =	simm.s32 @p1 $0xFFFFFFFC;
	s16 =	sadd.s32 s16, s17  }
0x70: {  	s8 =	simm.s32 @p0 $0x3;
	p0 =	sne.s32 s15, $0x8;
	s15 =	simm.s32 $0x1  }
0x71: {  	p1 =	seq.s32 s14, $0x2;
	p6 =	seq.s32 s16, $0x8;
	s15 =	simm.s32 @!p0 $0x0  }
0x72: {  	p0 =	seq.s32 s14, $0x0;
	s15 =	simm.s32 @p6 $0xFFFFFFFC;
	p6 =	seq.s32 s16, $0x7  }
0x73: {  	s8 =	simm.s32 @p4 $0x2;
	p4 =	seq.s32 s16, $0x6;
	s15 =	simm.s32 @p6 $0x3  }
0x74: {  	s8 =	simm.s32 @p5 $0xFFFFFFFD;
	s15 =	simm.s32 @p4 $0x2;
	p4 =	seq.s32 s16, $0x5  }
0x75: {  	s8 =	simm.s32 @p3 $0x1;
	p3 =	seq.s32 s16, $0x3;
	s15 =	simm.s32 @p4 $0xFFFFFFFD  }
0x76: {  	s8 =	simm.s32 @p1 $0xFFFFFFFE;
	p1 =	seq.s32 s16, $0x2;
	s15 =	simm.s32 @p3 $0x1  }
0x77: {  	s8 =	simm.s32 @p2 $0xFFFFFFFF;
	p2 =	seq.s32 s16, $0x1;
	s15 =	simm.s32 @p1 $0xFFFFFFFE  }
0x78: {  	v4 =	vadd.s32 s13, v0;
	s8 =	simm.s32 @p0 $0x4;
	p1 =	seq.s32 s16, $0x0;
	s15 =	simm.s32 @p2 $0xFFFFFFFF  }
0x79: {  	v4 =	vand.u32 $0xF, v4;
	s19 =	sshll.u32 s12, $0x4;
	v5 =	vadd.s32 s8, v0;
	s15 =	simm.s32 @p1 $0x4  }
0x7a: {  	s21 =	sshll.u32 s31, $0x4;
	s20 =	sshra.s32 s9, $0x2;
	v4 =	vor.u32 s19, v4;
	v5 =	vand.u32 $0xF, v5;
	v6 =	vadd.s32 s15, v0  }
0x7b: {  	s1 =	sshra.s32 s1, $0x2;
	s0 =	sshll.u32 s7, $0x4;
	[tilespmem:s20+$0x0] =	vst v4;
	v4 =	vor.u32 s21, v5;
	v5 =	vand.u32 $0xF, v6  }
0x7c: {  	s6 =	sshra.s32 s6, $0x2;
	[tilespmem:s1+$0x0] =	vst v4;
	v4 =	vor.u32 s0, v5  }
0x7d: {  	[tilespmem:s6+$0x0] =	vst v4  }
0x7e: {  	v4 =	vld [tilespmem:$0x0];
	_ =	sdelay $0x4  }
0x7f: {  	v5 =	vshrl.u32 v4, $0x3  }
0x80: {  	v5 =	vmul.u32 $0x30, v5  }
0x81: {  	v4 =	vand.u32 $0x7, v4  }
0x82: {  	v4 =	vor.u32 v4, v5  }
0x83: {  	v5 =	vperm.xlane v4, v1;
	_ =	sdelay $0x1  }
0x84: {  	v5 =	vadd.s32 v2, v5;
	_ =	sdelay $0x3  }
0x85: {  	s31 =	simm.s32 $0x0;
	v4 =	vperm.xlane v4, v3  }
0x86: {  	[tilespmem:s11], [sflag:$0x1] =	stream.indirect_vreg.gather [hbm4b:s2+s31], $0x80, v5, vm0, $0xb8;
	[tilespmem:$0x15680] =	vst v63  }
0x87: {  	s0 =	simm.s32 $0xE80;
	v4 =	vadd.s32 v2, v4  }
0x88: {  	[tilespmem:s0], [sflag:$0x1] =	stream.indirect_vreg.gather [hbm4b:s4+s31], $0x80, v5, vm0, $0xb8;
	[tilespmem:$0x15680] =	vst v63  }
0x89: {  	s8 =	simm.s32 $0x1680  }
0x8a: {  	[tilespmem:s8], [sflag:$0x1] =	stream.indirect_vreg.gather [hbm4b:s5+s31], $0x80, v5, vm0, $0xb8;
	[tilespmem:$0x15680] =	vst v63  }
0x8b: {  	s9 =	simm.s32 $0x1E80  }
0x8c: {  	[tilespmem:s9], [sflag:$0x1] =	stream.indirect_vreg.gather [hbm4b:s2+s31], $0x80, v4, vm0, $0xb8;
	[tilespmem:$0x15680] =	vst v63  }
0x8d: {  	s12 =	simm.s32 $0x2680  }
0x8e: {  	[tilespmem:s12], [sflag:$0x1] =	stream.indirect_vreg.gather [hbm4b:s4+s31], $0x80, v4, vm0, $0xb8;
	[tilespmem:$0x15680] =	vst v63  }
0x8f: {  	s13 =	simm.s32 $0x2E80  }
0x90: {  	[tilespmem:s13], [sflag:$0x1] =	stream.indirect_vreg.gather [hbm4b:s5+s31], $0x80, v4, vm0, $0xb8;
	[tilespmem:$0x15680] =	vst v63  }
0x91: {  	v4 =	vld [tilespmem:$0x10];
	_ =	sdelay $0x4  }
0x92: {  	v5 =	vshrl.u32 v4, $0x3  }
0x93: {  	v5 =	vmul.u32 $0x30, v5  }
0x94: {  	v4 =	vand.u32 $0x7, v4  }
0x95: {  	v4 =	vor.u32 v4, v5  }
0x96: {  	v5 =	vperm.xlane v4, v1;
	_ =	sdelay $0x1  }
0x97: {  	v5 =	vadd.s32 v2, v5;
	_ =	sdelay $0x3  }
0x98: {  	s14 =	simm.s32 $0x3680;
	v4 =	vperm.xlane v4, v3  }
0x99: {  	[tilespmem:s14], [sflag:$0x1] =	stream.indirect_vreg.gather [hbm4b:s2+s31], $0x80, v5, vm0, $0xb8;
	[tilespmem:$0x15680] =	vst v63  }
0x9a: {  	s15 =	simm.s32 $0x3E80;
	v4 =	vadd.s32 v2, v4  }
0x9b: {  	[tilespmem:s15], [sflag:$0x1] =	stream.indirect_vreg.gather [hbm4b:s4+s31], $0x80, v5, vm0, $0xb8;
	[tilespmem:$0x15680] =	vst v63  }
0x9c: {  	s16 =	simm.s32 $0x4680  }
0x9d: {  	[tilespmem:s16], [sflag:$0x1] =	stream.indirect_vreg.gather [hbm4b:s5+s31], $0x80, v5, vm0, $0xb8;
	[tilespmem:$0x15680] =	vst v63  }
0x9e: {  	s17 =	simm.s32 $0x4E80  }
0x9f: {  	[tilespmem:s17], [sflag:$0x1] =	stream.indirect_vreg.gather [hbm4b:s2+s31], $0x80, v4, vm0, $0xb8;
	[tilespmem:$0x15680] =	vst v63  }
0xa0: {  	s18 =	simm.s32 $0x5680  }
0xa1: {  	[tilespmem:s18], [sflag:$0x1] =	stream.indirect_vreg.gather [hbm4b:s4+s31], $0x80, v4, vm0, $0xb8;
	[tilespmem:$0x15680] =	vst v63  }
0xa2: {  	s19 =	simm.s32 $0x5E80  }
0xa3: {  	[tilespmem:s19], [sflag:$0x1] =	stream.indirect_vreg.gather [hbm4b:s5+s31], $0x80, v4, vm0, $0xb8;
	[tilespmem:$0x15680] =	vst v63  }
0xa4: {  	v4 =	vld [tilespmem:$0x20];
	_ =	sdelay $0x4  }
0xa5: {  	v5 =	vshrl.u32 v4, $0x3  }
0xa6: {  	v5 =	vmul.u32 $0x30, v5  }
0xa7: {  	v4 =	vand.u32 $0x7, v4  }
0xa8: {  	v4 =	vor.u32 v4, v5  }
0xa9: {  	v5 =	vperm.xlane v4, v1;
	_ =	sdelay $0x1  }
0xaa: {  	v5 =	vadd.s32 v2, v5;
	_ =	sdelay $0x3  }
0xab: {  	s20 =	simm.s32 $0x6680;
	v4 =	vperm.xlane v4, v3  }
0xac: {  	[tilespmem:s20], [sflag:$0x1] =	stream.indirect_vreg.gather [hbm4b:s2+s31], $0x80, v5, vm0, $0xb8;
	[tilespmem:$0x15680] =	vst v63  }
0xad: {  	s21 =	simm.s32 $0x6E80;
	v4 =	vadd.s32 v2, v4  }
0xae: {  	[tilespmem:s21], [sflag:$0x1] =	stream.indirect_vreg.gather [hbm4b:s4+s31], $0x80, v5, vm0, $0xb8;
	[tilespmem:$0x15680] =	vst v63  }
0xaf: {  	_ = 	snop  }
0xb0: {  	[tilespmem:s22], [sflag:$0x1] =	stream.indirect_vreg.gather [hbm4b:s5+s31], $0x80, v5, vm0, $0xb8;
	[tilespmem:$0x15680] =	vst v63  }
0xb1: {  	_ = 	snop  }
0xb2: {  	[tilespmem:s23], [sflag:$0x1] =	stream.indirect_vreg.gather [hbm4b:s2+s31], $0x80, v4, vm0, $0xb8;
	[tilespmem:$0x15680] =	vst v63  }
0xb3: {  	_ = 	snop  }
0xb4: {  	[tilespmem:s24], [sflag:$0x1] =	stream.indirect_vreg.gather [hbm4b:s4+s31], $0x80, v4, vm0, $0xb8;
	[tilespmem:$0x15680] =	vst v63  }
0xb5: {  	_ = 	snop  }
0xb6: {  	[tilespmem:s25], [sflag:$0x1] =	stream.indirect_vreg.gather [hbm4b:s5+s31], $0x80, v4, vm0, $0xb8;
	[tilespmem:$0x15680] =	vst v63  }
0xb7: {  	v4 =	vld.msk [tilespmem:$0x30], $0xff;
	_ =	sdelay $0x4  }
0xb8: {  	v5 =	vshrl.u32 v4, $0x3  }
0xb9: {  	v5 =	vmul.u32 $0x30, v5  }
0xba: {  	v4 =	vand.u32 $0x7, v4  }
0xbb: {  	v4 =	vor.u32 v4, v5  }
0xbc: {  	v4 =	vperm.xlane v4, v1;
	_ =	sdelay $0x1  }
0xbd: {  	v4 =	vadd.s32 v2, v4;
	_ =	sdelay $0x4  }
0xbe: {  	[tilespmem:s26], [sflag:$0x1] =	stream.indirect_vreg.gather [hbm4b:s2+s31], $0x80, v4, vm0, $0xb8;
	[tilespmem:$0x15680] =	vst v63  }
0xbf: {  	_ = 	snop  }
0xc0: {  	[tilespmem:s28], [sflag:$0x1] =	stream.indirect_vreg.gather [hbm4b:s4+s31], $0x80, v4, vm0, $0xb8;
	[tilespmem:$0x15680] =	vst v63  }
0xc1: {  	s11 =	simm.s32 $0xA680  }
0xc2: {  	[tilespmem:s11], [sflag:$0x1] =	stream.indirect_vreg.gather [hbm4b:s5+s31], $0x80, v4, vm0, $0xb8;
	[tilespmem:$0x15680] =	vst v63  }
0xc3: {  	v4 =	vld [tilespmem:$0x38];
	_ =	sdelay $0x4  }
0xc4: {  	v5 =	vshrl.u32 v4, $0x3  }
0xc5: {  	v5 =	vmul.u32 $0x30, v5  }
0xc6: {  	v4 =	vand.u32 $0x7, v4  }
0xc7: {  	v4 =	vor.u32 v4, v5  }
0xc8: {  	v5 =	vperm.xlane v4, v1;
	_ =	sdelay $0x1  }
0xc9: {  	v5 =	vadd.s32 v2, v5;
	_ =	sdelay $0x3  }
0xca: {  	s7 =	simm.s32 $0xAE80;
	v4 =	vperm.xlane v4, v3  }
0xcb: {  	[tilespmem:s7], [sflag:$0x2] =	stream.indirect_vreg.gather [hbm4b:s2+s31], $0x80, v5, vm0, $0xb8;
	[tilespmem:$0x15680] =	vst v63  }
0xcc: {  	s6 =	simm.s32 $0xB680;
	v4 =	vadd.s32 v2, v4  }
0xcd: {  	[tilespmem:s6], [sflag:$0x2] =	stream.indirect_vreg.gather [hbm4b:s4+s31], $0x80, v5, vm0, $0xb8;
	[tilespmem:$0x15680] =	vst v63  }
0xce: {  	s7 =	simm.s32 $0xBE80  }
0xcf: {  	[tilespmem:s7], [sflag:$0x2] =	stream.indirect_vreg.gather [hbm4b:s5+s31], $0x80, v5, vm0, $0xb8;
	[tilespmem:$0x15680] =	vst v63  }
0xd0: {  	s6 =	simm.s32 $0xC680  }
0xd1: {  	[tilespmem:s6], [sflag:$0x2] =	stream.indirect_vreg.gather [hbm4b:s2+s31], $0x80, v4, vm0, $0xb8;
	[tilespmem:$0x15680] =	vst v63  }
0xd2: {  	s7 =	simm.s32 $0xCE80  }
0xd3: {  	[tilespmem:s7], [sflag:$0x2] =	stream.indirect_vreg.gather [hbm4b:s4+s31], $0x80, v4, vm0, $0xb8;
	[tilespmem:$0x15680] =	vst v63  }
0xd4: {  	s6 =	simm.s32 $0xD680  }
0xd5: {  	[tilespmem:s6], [sflag:$0x2] =	stream.indirect_vreg.gather [hbm4b:s5+s31], $0x80, v4, vm0, $0xb8;
	[tilespmem:$0x15680] =	vst v63  }
0xd6: {  	v4 =	vld [tilespmem:$0x48];
	_ =	sdelay $0x4  }
0xd7: {  	v5 =	vshrl.u32 v4, $0x3  }
0xd8: {  	v5 =	vmul.u32 $0x30, v5  }
0xd9: {  	v4 =	vand.u32 $0x7, v4  }
0xda: {  	v4 =	vor.u32 v4, v5  }
0xdb: {  	v5 =	vperm.xlane v4, v1;
	_ =	sdelay $0x1  }
0xdc: {  	v5 =	vadd.s32 v2, v5;
	_ =	sdelay $0x3  }
0xdd: {  	s7 =	simm.s32 $0xDE80;
	v4 =	vperm.xlane v4, v3  }
0xde: {  	[tilespmem:s7], [sflag:$0x2] =	stream.indirect_vreg.gather [hbm4b:s2+s31], $0x80, v5, vm0, $0xb8;
	[tilespmem:$0x15680] =	vst v63  }
0xdf: {  	s6 =	simm.s32 $0xE680;
	v4 =	vadd.s32 v2, v4  }
0xe0: {  	[tilespmem:s6], [sflag:$0x2] =	stream.indirect_vreg.gather [hbm4b:s4+s31], $0x80, v5, vm0, $0xb8;
	[tilespmem:$0x15680] =	vst v63  }
0xe1: {  	s7 =	simm.s32 $0xEE80  }
0xe2: {  	[tilespmem:s7], [sflag:$0x2] =	stream.indirect_vreg.gather [hbm4b:s5+s31], $0x80, v5, vm0, $0xb8;
	[tilespmem:$0x15680] =	vst v63  }
0xe3: {  	s6 =	simm.s32 $0xF680  }
0xe4: {  	[tilespmem:s6], [sflag:$0x2] =	stream.indirect_vreg.gather [hbm4b:s2+s31], $0x80, v4, vm0, $0xb8;
	[tilespmem:$0x15680] =	vst v63  }
0xe5: {  	s7 =	simm.s32 $0xFE80  }
0xe6: {  	[tilespmem:s7], [sflag:$0x2] =	stream.indirect_vreg.gather [hbm4b:s4+s31], $0x80, v4, vm0, $0xb8;
	[tilespmem:$0x15680] =	vst v63  }
0xe7: {  	s6 =	simm.s32 $0x10680  }
0xe8: {  	[tilespmem:s6], [sflag:$0x2] =	stream.indirect_vreg.gather [hbm4b:s5+s31], $0x80, v4, vm0, $0xb8;
	[tilespmem:$0x15680] =	vst v63  }
0xe9: {  	v4 =	vld [tilespmem:$0x58];
	_ =	sdelay $0x4  }
0xea: {  	v5 =	vshrl.u32 v4, $0x3  }
0xeb: {  	v5 =	vmul.u32 $0x30, v5  }
0xec: {  	v4 =	vand.u32 $0x7, v4  }
0xed: {  	v4 =	vor.u32 v4, v5  }
0xee: {  	v5 =	vperm.xlane v4, v1;
	_ =	sdelay $0x1  }
0xef: {  	v5 =	vadd.s32 v2, v5;
	_ =	sdelay $0x3  }
0xf0: {  	s7 =	simm.s32 $0x10E80;
	v4 =	vperm.xlane v4, v3  }
0xf1: {  	[tilespmem:s7], [sflag:$0x2] =	stream.indirect_vreg.gather [hbm4b:s2+s31], $0x80, v5, vm0, $0xb8;
	[tilespmem:$0x15680] =	vst v63  }
0xf2: {  	s6 =	simm.s32 $0x11680;
	v4 =	vadd.s32 v2, v4  }
0xf3: {  	[tilespmem:s6], [sflag:$0x2] =	stream.indirect_vreg.gather [hbm4b:s4+s31], $0x80, v5, vm0, $0xb8;
	[tilespmem:$0x15680] =	vst v63  }
0xf4: {  	s7 =	simm.s32 $0x11E80  }
0xf5: {  	[tilespmem:s7], [sflag:$0x2] =	stream.indirect_vreg.gather [hbm4b:s5+s31], $0x80, v5, vm0, $0xb8;
	[tilespmem:$0x15680] =	vst v63  }
0xf6: {  	s6 =	simm.s32 $0x12680  }
0xf7: {  	[tilespmem:s6], [sflag:$0x2] =	stream.indirect_vreg.gather [hbm4b:s2+s31], $0x80, v4, vm0, $0xb8;
	[tilespmem:$0x15680] =	vst v63  }
0xf8: {  	s7 =	simm.s32 $0x12E80  }
0xf9: {  	[tilespmem:s7], [sflag:$0x2] =	stream.indirect_vreg.gather [hbm4b:s4+s31], $0x80, v4, vm0, $0xb8;
	[tilespmem:$0x15680] =	vst v63  }
0xfa: {  	s6 =	simm.s32 $0x13680  }
0xfb: {  	[tilespmem:s6], [sflag:$0x2] =	stream.indirect_vreg.gather [hbm4b:s5+s31], $0x80, v4, vm0, $0xb8;
	[tilespmem:$0x15680] =	vst v63  }
0xfc: {  	v4 =	vld.msk [tilespmem:$0x68], $0xff;
	_ =	sdelay $0x4  }
0xfd: {  	v5 =	vshrl.u32 v4, $0x3  }
0xfe: {  	v5 =	vmul.u32 $0x30, v5  }
0xff: {  	v4 =	vand.u32 $0x7, v4  }
0x100: {  	v4 =	vor.u32 v4, v5  }
0x101: {  	v4 =	vperm.xlane v4, v1;
	_ =	sdelay $0x1  }
0x102: {  	v4 =	vadd.s32 v2, v4;
	_ =	sdelay $0x3  }
0x103: {  	s7 =	simm.s32 $0x13E80  }
0x104: {  	[tilespmem:s7], [sflag:$0x2] =	stream.indirect_vreg.gather [hbm4b:s2+s31], $0x80, v4, vm0, $0xb8;
	[tilespmem:$0x15680] =	vst v63  }
0x105: {  	s6 =	simm.s32 $0x14680  }
0x106: {  	[tilespmem:s6], [sflag:$0x2] =	stream.indirect_vreg.gather [hbm4b:s4+s31], $0x80, v4, vm0, $0xb8;
	[tilespmem:$0x15680] =	vst v63  }
0x107: {  	s1 =	simm.s32 $0xD8;
	s0 =	simm.s32 $0x680;
	s7 =	simm.s32 $0x14E80  }
0x108: {  	[tilespmem:s7], [sflag:$0x2] =	stream.indirect_vreg.gather [hbm4b:s5+s31], $0x80, v4, vm0, $0xb8;
	[tilespmem:$0x15680] =	vst v63  }
.LBB2_4:
0x109: {  	_ =	swait.ge [sflag:s10], $0xA800  }
0x10a: {  	s6 =	rddreg [dreg:$0x3];
	[sflag:s10] =	ssyncset.done $0x0  }
0x10b: {  	[sflag:s10] =	ssyncadd.s32 $0xFFFF5800;
	s6 =	sadd.s32 s31, s6  }
0x10c: {  	[hbm4b:s6+s3] =	stream.linear.scatter [tilespmem:s0], [sflag:$0x3], $0xA800, $0x38;
	[tilespmem:$0x15680] =	vst v63  }
0x10d: {  	_ =	swait.ge [sflag:s29], $0xA800  }
0x10e: {  	[sflag:s29] =	ssyncset.done $0x0  }
0x10f: {  	[sflag:s29] =	ssyncadd.s32 $0xFFFF5800  }
0x110: {  	v4 =	vld [tilespmem:s1+$0xFFFFFF98];
	_ =	sdelay $0x4  }
0x111: {  	v5 =	vshrl.u32 v4, $0x3  }
0x112: {  	v5 =	vmul.u32 $0x30, v5  }
0x113: {  	v4 =	vand.u32 $0x7, v4  }
0x114: {  	v4 =	vor.u32 v4, v5  }
0x115: {  	v5 =	vperm.xlane v4, v1;
	_ =	sdelay $0x1  }
0x116: {  	v5 =	vadd.s32 v2, v5;
	_ =	sdelay $0x3  }
0x117: {  	v4 =	vperm.xlane v4, v3  }
0x118: {  	[tilespmem:s0], [sflag:$0x1] =	stream.indirect_vreg.gather [hbm4b:s2+s3], $0x80, v5, vm0, $0xb8;
	[tilespmem:$0x15680] =	vst v63  }
0x119: {  	s6 =	simm.s32 $0xE80;
	v4 =	vadd.s32 v2, v4  }
0x11a: {  	[tilespmem:s6], [sflag:$0x1] =	stream.indirect_vreg.gather [hbm4b:s4+s3], $0x80, v5, vm0, $0xb8;
	[tilespmem:$0x15680] =	vst v63  }
0x11b: {  	_ = 	snop  }
0x11c: {  	[tilespmem:s8], [sflag:$0x1] =	stream.indirect_vreg.gather [hbm4b:s5+s3], $0x80, v5, vm0, $0xb8;
	[tilespmem:$0x15680] =	vst v63  }
0x11d: {  	_ = 	snop  }
0x11e: {  	[tilespmem:s9], [sflag:$0x1] =	stream.indirect_vreg.gather [hbm4b:s2+s3], $0x80, v4, vm0, $0xb8;
	[tilespmem:$0x15680] =	vst v63  }
0x11f: {  	_ = 	snop  }
0x120: {  	[tilespmem:s12], [sflag:$0x1] =	stream.indirect_vreg.gather [hbm4b:s4+s3], $0x80, v4, vm0, $0xb8;
	[tilespmem:$0x15680] =	vst v63  }
0x121: {  	_ = 	snop  }
0x122: {  	[tilespmem:s13], [sflag:$0x1] =	stream.indirect_vreg.gather [hbm4b:s5+s3], $0x80, v4, vm0, $0xb8;
	[tilespmem:$0x15680] =	vst v63  }
0x123: {  	v4 =	vld [tilespmem:s1+$0xFFFFFFA8];
	_ =	sdelay $0x4  }
0x124: {  	v5 =	vshrl.u32 v4, $0x3  }
0x125: {  	v5 =	vmul.u32 $0x30, v5  }
0x126: {  	v4 =	vand.u32 $0x7, v4  }
0x127: {  	v4 =	vor.u32 v4, v5  }
0x128: {  	v5 =	vperm.xlane v4, v1;
	_ =	sdelay $0x1  }
0x129: {  	v5 =	vadd.s32 v2, v5;
	_ =	sdelay $0x3  }
0x12a: {  	v4 =	vperm.xlane v4, v3  }
0x12b: {  	[tilespmem:s14], [sflag:$0x1] =	stream.indirect_vreg.gather [hbm4b:s2+s3], $0x80, v5, vm0, $0xb8;
	[tilespmem:$0x15680] =	vst v63  }
0x12c: {  	v4 =	vadd.s32 v2, v4  }
0x12d: {  	[tilespmem:s15], [sflag:$0x1] =	stream.indirect_vreg.gather [hbm4b:s4+s3], $0x80, v5, vm0, $0xb8;
	[tilespmem:$0x15680] =	vst v63  }
0x12e: {  	_ = 	snop  }
0x12f: {  	[tilespmem:s16], [sflag:$0x1] =	stream.indirect_vreg.gather [hbm4b:s5+s3], $0x80, v5, vm0, $0xb8;
	[tilespmem:$0x15680] =	vst v63  }
0x130: {  	_ = 	snop  }
0x131: {  	[tilespmem:s17], [sflag:$0x1] =	stream.indirect_vreg.gather [hbm4b:s2+s3], $0x80, v4, vm0, $0xb8;
	[tilespmem:$0x15680] =	vst v63  }
0x132: {  	_ = 	snop  }
0x133: {  	[tilespmem:s18], [sflag:$0x1] =	stream.indirect_vreg.gather [hbm4b:s4+s3], $0x80, v4, vm0, $0xb8;
	[tilespmem:$0x15680] =	vst v63  }
0x134: {  	_ = 	snop  }
0x135: {  	[tilespmem:s19], [sflag:$0x1] =	stream.indirect_vreg.gather [hbm4b:s5+s3], $0x80, v4, vm0, $0xb8;
	[tilespmem:$0x15680] =	vst v63  }
0x136: {  	v4 =	vld [tilespmem:s1+$0xFFFFFFB8];
	_ =	sdelay $0x4  }
0x137: {  	v5 =	vshrl.u32 v4, $0x3  }
0x138: {  	v5 =	vmul.u32 $0x30, v5  }
0x139: {  	v4 =	vand.u32 $0x7, v4  }
0x13a: {  	v4 =	vor.u32 v4, v5  }
0x13b: {  	v5 =	vperm.xlane v4, v1;
	_ =	sdelay $0x1  }
0x13c: {  	v5 =	vadd.s32 v2, v5;
	_ =	sdelay $0x3  }
0x13d: {  	v4 =	vperm.xlane v4, v3  }
0x13e: {  	[tilespmem:s20], [sflag:$0x1] =	stream.indirect_vreg.gather [hbm4b:s2+s3], $0x80, v5, vm0, $0xb8;
	[tilespmem:$0x15680] =	vst v63  }
0x13f: {  	v4 =	vadd.s32 v2, v4  }
0x140: {  	[tilespmem:s21], [sflag:$0x1] =	stream.indirect_vreg.gather [hbm4b:s4+s3], $0x80, v5, vm0, $0xb8;
	[tilespmem:$0x15680] =	vst v63  }
0x141: {  	_ = 	snop  }
0x142: {  	[tilespmem:s22], [sflag:$0x1] =	stream.indirect_vreg.gather [hbm4b:s5+s3], $0x80, v5, vm0, $0xb8;
	[tilespmem:$0x15680] =	vst v63  }
0x143: {  	_ = 	snop  }
0x144: {  	[tilespmem:s23], [sflag:$0x1] =	stream.indirect_vreg.gather [hbm4b:s2+s3], $0x80, v4, vm0, $0xb8;
	[tilespmem:$0x15680] =	vst v63  }
0x145: {  	_ = 	snop  }
0x146: {  	[tilespmem:s24], [sflag:$0x1] =	stream.indirect_vreg.gather [hbm4b:s4+s3], $0x80, v4, vm0, $0xb8;
	[tilespmem:$0x15680] =	vst v63  }
0x147: {  	_ = 	snop  }
0x148: {  	[tilespmem:s25], [sflag:$0x1] =	stream.indirect_vreg.gather [hbm4b:s5+s3], $0x80, v4, vm0, $0xb8;
	[tilespmem:$0x15680] =	vst v63  }
0x149: {  	v4 =	vld.msk [tilespmem:s1+$0xFFFFFFC8], $0xff;
	_ =	sdelay $0x4  }
0x14a: {  	v5 =	vshrl.u32 v4, $0x3  }
0x14b: {  	v5 =	vmul.u32 $0x30, v5  }
0x14c: {  	v4 =	vand.u32 $0x7, v4  }
0x14d: {  	v4 =	vor.u32 v4, v5  }
0x14e: {  	v4 =	vperm.xlane v4, v1;
	_ =	sdelay $0x1  }
0x14f: {  	v4 =	vadd.s32 v2, v4;
	_ =	sdelay $0x4  }
0x150: {  	[tilespmem:s26], [sflag:$0x1] =	stream.indirect_vreg.gather [hbm4b:s2+s3], $0x80, v4, vm0, $0xb8;
	[tilespmem:$0x15680] =	vst v63  }
0x151: {  	_ = 	snop  }
0x152: {  	[tilespmem:s28], [sflag:$0x1] =	stream.indirect_vreg.gather [hbm4b:s4+s3], $0x80, v4, vm0, $0xb8;
	[tilespmem:$0x15680] =	vst v63  }
0x153: {  	_ = 	snop  }
0x154: {  	[tilespmem:s11], [sflag:$0x1] =	stream.indirect_vreg.gather [hbm4b:s5+s3], $0x80, v4, vm0, $0xb8;
	[tilespmem:$0x15680] =	vst v63  }
0x155: {  	_ =	swait.ge [sflag:s30], $0xA800  }
0x156: {  	s6 =	rddreg [dreg:$0x4];
	[sflag:s30] =	ssyncset.done $0x0  }
0x157: {  	s7 =	simm.s32 $0xAE80;
	[sflag:s30] =	ssyncadd.s32 $0xFFFF5800;
	s6 =	sadd.s32 s31, s6  }
0x158: {  	[hbm4b:s6+s3] =	stream.linear.scatter [tilespmem:s7], [sflag:$0x3], $0xA800, $0x38;
	[tilespmem:$0x15680] =	vst v63  }
0x159: {  	_ =	swait.ge [sflag:s29], $0xA800  }
0x15a: {  	[sflag:s29] =	ssyncset.done $0x0  }
0x15b: {  	[sflag:s29] =	ssyncadd.s32 $0xFFFF5800  }
0x15c: {  	v4 =	vld [tilespmem:s1+$0xFFFFFFD0];
	_ =	sdelay $0x4  }
0x15d: {  	v5 =	vshrl.u32 v4, $0x3  }
0x15e: {  	v5 =	vmul.u32 $0x30, v5  }
0x15f: {  	v4 =	vand.u32 $0x7, v4  }
0x160: {  	v4 =	vor.u32 v4, v5  }
0x161: {  	v5 =	vperm.xlane v4, v1;
	_ =	sdelay $0x1  }
0x162: {  	v5 =	vadd.s32 v2, v5;
	_ =	sdelay $0x3  }
0x163: {  	s6 =	simm.s32 $0xAE80;
	v4 =	vperm.xlane v4, v3  }
0x164: {  	[tilespmem:s6], [sflag:$0x2] =	stream.indirect_vreg.gather [hbm4b:s2+s3], $0x80, v5, vm0, $0xb8;
	[tilespmem:$0x15680] =	vst v63  }
0x165: {  	s7 =	simm.s32 $0xB680;
	v4 =	vadd.s32 v2, v4  }
0x166: {  	[tilespmem:s7], [sflag:$0x2] =	stream.indirect_vreg.gather [hbm4b:s4+s3], $0x80, v5, vm0, $0xb8;
	[tilespmem:$0x15680] =	vst v63  }
0x167: {  	s7 =	simm.s32 $0xBE80  }
0x168: {  	[tilespmem:s7], [sflag:$0x2] =	stream.indirect_vreg.gather [hbm4b:s5+s3], $0x80, v5, vm0, $0xb8;
	[tilespmem:$0x15680] =	vst v63  }
0x169: {  	s7 =	simm.s32 $0xC680  }
0x16a: {  	[tilespmem:s7], [sflag:$0x2] =	stream.indirect_vreg.gather [hbm4b:s2+s3], $0x80, v4, vm0, $0xb8;
	[tilespmem:$0x15680] =	vst v63  }
0x16b: {  	s7 =	simm.s32 $0xCE80  }
0x16c: {  	[tilespmem:s7], [sflag:$0x2] =	stream.indirect_vreg.gather [hbm4b:s4+s3], $0x80, v4, vm0, $0xb8;
	[tilespmem:$0x15680] =	vst v63  }
0x16d: {  	s7 =	simm.s32 $0xD680  }
0x16e: {  	[tilespmem:s7], [sflag:$0x2] =	stream.indirect_vreg.gather [hbm4b:s5+s3], $0x80, v4, vm0, $0xb8;
	[tilespmem:$0x15680] =	vst v63  }
0x16f: {  	v4 =	vld [tilespmem:s1+$0xFFFFFFE0];
	_ =	sdelay $0x4  }
0x170: {  	v5 =	vshrl.u32 v4, $0x3  }
0x171: {  	v5 =	vmul.u32 $0x30, v5  }
0x172: {  	v4 =	vand.u32 $0x7, v4  }
0x173: {  	v4 =	vor.u32 v4, v5  }
0x174: {  	v5 =	vperm.xlane v4, v1;
	_ =	sdelay $0x1  }
0x175: {  	v5 =	vadd.s32 v2, v5;
	_ =	sdelay $0x3  }
0x176: {  	s7 =	simm.s32 $0xDE80;
	v4 =	vperm.xlane v4, v3  }
0x177: {  	[tilespmem:s7], [sflag:$0x2] =	stream.indirect_vreg.gather [hbm4b:s2+s3], $0x80, v5, vm0, $0xb8;
	[tilespmem:$0x15680] =	vst v63  }
0x178: {  	v4 =	vadd.s32 v2, v4;
	s7 =	simm.s32 $0xE680  }
0x179: {  	[tilespmem:s7], [sflag:$0x2] =	stream.indirect_vreg.gather [hbm4b:s4+s3], $0x80, v5, vm0, $0xb8;
	[tilespmem:$0x15680] =	vst v63  }
0x17a: {  	s7 =	simm.s32 $0xEE80  }
0x17b: {  	[tilespmem:s7], [sflag:$0x2] =	stream.indirect_vreg.gather [hbm4b:s5+s3], $0x80, v5, vm0, $0xb8;
	[tilespmem:$0x15680] =	vst v63  }
0x17c: {  	s7 =	simm.s32 $0xF680  }
0x17d: {  	[tilespmem:s7], [sflag:$0x2] =	stream.indirect_vreg.gather [hbm4b:s2+s3], $0x80, v4, vm0, $0xb8;
	[tilespmem:$0x15680] =	vst v63  }
0x17e: {  	s7 =	simm.s32 $0xFE80  }
0x17f: {  	[tilespmem:s7], [sflag:$0x2] =	stream.indirect_vreg.gather [hbm4b:s4+s3], $0x80, v4, vm0, $0xb8;
	[tilespmem:$0x15680] =	vst v63  }
0x180: {  	s7 =	simm.s32 $0x10680  }
0x181: {  	[tilespmem:s7], [sflag:$0x2] =	stream.indirect_vreg.gather [hbm4b:s5+s3], $0x80, v4, vm0, $0xb8;
	[tilespmem:$0x15680] =	vst v63  }
0x182: {  	v4 =	vld [tilespmem:s1+$0xFFFFFFF0];
	_ =	sdelay $0x4  }
0x183: {  	v5 =	vshrl.u32 v4, $0x3  }
0x184: {  	v5 =	vmul.u32 $0x30, v5  }
0x185: {  	v4 =	vand.u32 $0x7, v4  }
0x186: {  	v4 =	vor.u32 v4, v5  }
0x187: {  	v5 =	vperm.xlane v4, v1;
	_ =	sdelay $0x1  }
0x188: {  	v5 =	vadd.s32 v2, v5;
	_ =	sdelay $0x3  }
0x189: {  	s7 =	simm.s32 $0x10E80;
	v4 =	vperm.xlane v4, v3  }
0x18a: {  	[tilespmem:s7], [sflag:$0x2] =	stream.indirect_vreg.gather [hbm4b:s2+s3], $0x80, v5, vm0, $0xb8;
	[tilespmem:$0x15680] =	vst v63  }
0x18b: {  	v4 =	vadd.s32 v2, v4;
	s7 =	simm.s32 $0x11680  }
0x18c: {  	[tilespmem:s7], [sflag:$0x2] =	stream.indirect_vreg.gather [hbm4b:s4+s3], $0x80, v5, vm0, $0xb8;
	[tilespmem:$0x15680] =	vst v63  }
0x18d: {  	s7 =	simm.s32 $0x11E80  }
0x18e: {  	[tilespmem:s7], [sflag:$0x2] =	stream.indirect_vreg.gather [hbm4b:s5+s3], $0x80, v5, vm0, $0xb8;
	[tilespmem:$0x15680] =	vst v63  }
0x18f: {  	s7 =	simm.s32 $0x12680  }
0x190: {  	[tilespmem:s7], [sflag:$0x2] =	stream.indirect_vreg.gather [hbm4b:s2+s3], $0x80, v4, vm0, $0xb8;
	[tilespmem:$0x15680] =	vst v63  }
0x191: {  	s7 =	simm.s32 $0x12E80  }
0x192: {  	[tilespmem:s7], [sflag:$0x2] =	stream.indirect_vreg.gather [hbm4b:s4+s3], $0x80, v4, vm0, $0xb8;
	[tilespmem:$0x15680] =	vst v63  }
0x193: {  	s7 =	simm.s32 $0x13680  }
0x194: {  	[tilespmem:s7], [sflag:$0x2] =	stream.indirect_vreg.gather [hbm4b:s5+s3], $0x80, v4, vm0, $0xb8;
	[tilespmem:$0x15680] =	vst v63  }
0x195: {  	v4 =	vld.msk [tilespmem:s1+$0x0], $0xff;
	_ =	sdelay $0x4  }
0x196: {  	v5 =	vshrl.u32 v4, $0x3  }
0x197: {  	v5 =	vmul.u32 $0x30, v5  }
0x198: {  	v4 =	vand.u32 $0x7, v4  }
0x199: {  	v4 =	vor.u32 v4, v5  }
0x19a: {  	v4 =	vperm.xlane v4, v1;
	_ =	sdelay $0x1  }
0x19b: {  	v4 =	vadd.s32 v2, v4;
	_ =	sdelay $0x3  }
0x19c: {  	p0 =	sne.s32 s31, $0x1F800;
	s7 =	simm.s32 $0x13E80  }
0x19d: {  	[tilespmem:s7], [sflag:$0x2] =	stream.indirect_vreg.gather [hbm4b:s2+s3], $0x80, v4, vm0, $0xb8;
	[tilespmem:$0x15680] =	vst v63  }
.Ltmp1:
0x19e: {  	_ = 	snop;
	(pc) =	sbr.rel @p0 .LBB2_4-.Ltmp1, $4  }
0x19f: {  	s7 =	simm.s32 $0x14680  }
0x1a0: {  	[tilespmem:s7], [sflag:$0x2] =	stream.indirect_vreg.gather [hbm4b:s4+s3], $0x80, v4, vm0, $0xb8;
	[tilespmem:$0x15680] =	vst v63  }
0x1a1: {  	s31 =	sadd.s32 $0x2A00, s31;
	s1 =	sadd.s32 $0x70, s1;
	s7 =	simm.s32 $0x14E80  }
0x1a2: {  	[tilespmem:s7], [sflag:$0x2] =	stream.indirect_vreg.gather [hbm4b:s5+s3], $0x80, v4, vm0, $0xb8;
	[tilespmem:$0x15680] =	vst v63  }
0x1a3: {  	_ =	swait.ge [sflag:s10], $0xA800  }
0x1a4: {  	[sflag:s10] =	ssyncset.done $0x0  }
0x1a5: {  	s1 =	rddreg [dreg:$0x5];
	[sflag:s10] =	ssyncadd.s32 $0xFFFF5800  }
0x1a6: {  	[hbm4b:s1+s3] =	stream.linear.scatter [tilespmem:s0], [sflag:$0x3], $0xA800, $0x38;
	[tilespmem:$0x15680] =	vst v63  }
0x1a7: {  	_ =	swait.ge [sflag:s29], $0xA800  }
0x1a8: {  	[sflag:s29] =	ssyncset.done $0x0  }
0x1a9: {  	[sflag:s29] =	ssyncadd.s32 $0xFFFF5800  }
0x1aa: {  	_ =	swait.ge [sflag:s30], $0xA800  }
0x1ab: {  	[sflag:s30] =	ssyncset.done $0x0  }
0x1ac: {  	s20 =	rddreg [dreg:$0x6];
	[sflag:s30] =	ssyncadd.s32 $0xFFFF5800  }
0x1ad: {  	[hbm4b:s20+s3] =	stream.linear.scatter [tilespmem:s6], [sflag:$0x3], $0xA800, $0x38;
	[tilespmem:$0x15680] =	vst v63  }
0x1ae: {  	_ =	swait.ge [sflag:s29], $0xA800  }
0x1af: {  	s21 =	rddreg [dreg:$0x9]  }
0x1b0: {  	s31 =	rddreg [dreg:$0x7];
	s0 =	sadd.s32 $0x1, s21  }
0x1b1: {  	p0 =	sne.s32 s0, s31  }
.Ltmp2:
0x1b2: {  	_ = 	snop;
	(pc) =	sbr.rel @p0 .LBB2_1-.Ltmp2, $3  }
0x1b3: {  	_ =	sdelay $0x1  }
0x1b4: {  	[sflag:s29] =	ssyncset.done $0x0  }
0x1b5: {  	s11 =	simm.s32 $0x680;
	[sflag:s29] =	ssyncadd.s32 $0xFFFF5800  }
0x1b6: {  	_ =	sfence.sel $0x180000  }
0x1b7: {  	[bflag:$0x0] =	sbarrier.arrive $0xFFFF  }
0x1b8: {  	_ =	strace $0x90000047  }
0x1b9: {  	s0 =	stileid.u32;
	[bflag:$0x2] =	sbarrier.arrive $0xFFFF  }
0x1ba: {  	p0 =	sne.s32 s0, $0x0;
	s0 =	rddreg [dreg:$0x2]  }
0x1bb: {  	s0 =	sadd.s32 @!p0 $0x100000, s0  }
0x1bc: {  	[sflag:s0] =	ssyncadd.tile.s32 @!p0 $0x1;
	_ =	shalt  }
.Lfunc_end2:
_tile_overlayer_lowered:
.L_overlay_start_2:
0x1bd: {  	(tag) =	ssettag $0x2  }
0x1be: {  	s0 =	rddreg [dreg:$0x0];
	s2 =	stileid.u32  }
0x1bf: {  	s1 =	rddreg [dreg:$0x1];
	p0 =	sne.s32 s2, $0x0  }
0x1c0: {  	s3 =	rddreg [dreg:$0x2];
	[bflag:$0x3] =	sbarrier.arrive $0xFFFF;
	s2 =	simm.s32 @!p0 $0x1C03  }
0x1c1: {  	[timem:s3], [sflag:s2] =	dma.local @!p0 [hbm:s0], s1  }
0x1c2: {  	s0 =	simm.s32 @!p0 $0x3  }
0x1c3: {  	_ =	swait.ge @!p0 [sflag:s0], s1  }
0x1c4: {  	s1 =	ssub.s32 @!p0 $0x0, s1;
	[sflag:s0] =	ssyncset.done @!p0 $0x0  }
0x1c5: {  	[sflag:s0] =	ssyncadd.s32 @!p0 s1  }
0x1c6: {  	[bflag:$0x3] =	sbarrier.arrive $0xFFFF  }
0x1c7: {  	_ =	shalt  }

</sc_bundles>
